<compile_context>
chip_gen: v7x
topology: tpu7x:2x2x1
jax: 0.10.2.dev20260603
libtpu: 0.0.44.dev20260713+nightly
codegen_flags: <defaults>
</compile_context>

<pallas_src>
import functools

import jax
import jax.numpy as jnp
from jax import lax
from jax.experimental import pallas as pl
from jax.experimental.pallas import tpu as pltpu
from jax.experimental.pallas import tpu_sc as plsc

N = 196
NP = 200
D = 768
K8 = 8
K4 = 4


def _stage1_body(x_ref, lidxT_ref, w_ref, b_ref, xln_ref, gidxT_ref):
    b = pl.program_id(0)
    xb = x_ref[0]
    lidxT = lidxT_ref[...]

    s = jnp.sum(xb * xb, axis=1, keepdims=True)
    nrm = jnp.sqrt(s)
    xn = xb / jnp.maximum(nrm, 1e-12)

    xnb = xn.astype(jnp.bfloat16)
    gram = lax.dot_general(
        xnb, xnb, (((1,), (1,)), ((), ())),
        preferred_element_type=jnp.float32,
    )

    miota0 = lax.broadcasted_iota(jnp.int32, (N, N), 0)
    simsT = []
    for k in range(K8):
        mskT = miota0 == lidxT[k][None, :]
        simsT.append(jnp.sum(jnp.where(mskT, gram, 0.0), axis=0, keepdims=True))
    simT = jnp.concatenate(simsT, axis=0)

    kioT = lax.broadcasted_iota(jnp.int32, (K8, N), 0)
    active = jnp.ones((K8, N), dtype=jnp.bool_)
    gsel = []
    for _ in range(K4):
        simm = jnp.where(active, simT, -jnp.inf)
        m = jnp.max(simm, axis=0, keepdims=True)
        ism = active & (simT == m)
        ch = jnp.min(jnp.where(ism, kioT, K8), axis=0, keepdims=True)
        hit = kioT == ch
        active = active & jnp.logical_not(hit)
        gsel.append(jnp.sum(jnp.where(hit, lidxT, 0), axis=0, keepdims=True))
    gidxT = jnp.concatenate(gsel, axis=0) + b * NP
    gidxT_ref[0] = gidxT

    mu = jnp.mean(xb, axis=1, keepdims=True)
    var = s * (1.0 / D) - mu * mu
    inv = lax.rsqrt(var + 1e-6)
    xln = (xb - mu) * inv * w_ref[...][None, :] + b_ref[...][None, :]
    xln_ref[0] = jnp.concatenate(
        [xln, jnp.zeros((NP - N, D), jnp.float32)], axis=0)


def _stage1(x, w, bvec, lidx):
    B = x.shape[0]
    return pl.pallas_call(
        _stage1_body,
        grid=(B,),
        in_specs=[
            pl.BlockSpec((1, N, D), lambda b: (b, 0, 0)),
            pl.BlockSpec((K8, N), lambda b: (0, 0)),
            pl.BlockSpec((D,), lambda b: (0,)),
            pl.BlockSpec((D,), lambda b: (0,)),
        ],
        out_specs=[
            pl.BlockSpec((1, NP, D), lambda b: (b, 0, 0)),
            pl.BlockSpec((1, K4, N), lambda b: (b, 0, 0)),
        ],
        out_shape=[
            jax.ShapeDtypeStruct((B, NP, D), jnp.float32),
            jax.ShapeDtypeStruct((B, K4, N), jnp.int32),
        ],
    )(x, lidx, w, bvec)


CH = 56


def _stage2(xln_flat, g3):
    nw, nch, ch = g3.shape
    rows = nw * nch * ch
    rows_per_w = nch * ch
    mesh = plsc.VectorSubcoreMesh(core_axis_name="c", subcore_axis_name="s")

    assert nch % 2 == 0 and ch == CH

    @functools.partial(
        pl.kernel,
        mesh=mesh,
        out_type=jax.ShapeDtypeStruct((rows, D), jnp.float32),
        scratch_types=[
            pltpu.VMEM((nch, CH), jnp.int32),
            pltpu.VMEM((CH, D), jnp.float32),
            pltpu.VMEM((CH, D), jnp.float32),
            pltpu.SemaphoreType.DMA,
            pltpu.SemaphoreType.DMA,
            pltpu.SemaphoreType.DMA,
            pltpu.SemaphoreType.DMA,
        ],
    )
    def k(xln_hbm, g_hbm, out_hbm, idx_all, buf0, buf1, gs0, gs1, ss0, ss1):
        wid = lax.axis_index("s") * 2 + lax.axis_index("c")
        base = wid * rows_per_w
        pltpu.sync_copy(g_hbm.at[wid], idx_all)

        def body(c2, carry):
            c0 = c2 * 2
            off0 = base + c0 * CH
            off1 = off0 + CH

            @pl.when(c2 > 0)
            def _():
                pltpu.make_async_copy(buf0, out_hbm.at[pl.ds(off0, CH)], ss0).wait()

            g0 = pltpu.async_copy(xln_hbm.at[idx_all.at[c0]], buf0, gs0)

            @pl.when(c2 > 0)
            def _():
                pltpu.make_async_copy(buf1, out_hbm.at[pl.ds(off1, CH)], ss1).wait()

            g1 = pltpu.async_copy(xln_hbm.at[idx_all.at[c0 + 1]], buf1, gs1)

            g0.wait()
            pltpu.async_copy(buf0, out_hbm.at[pl.ds(off0, CH)], ss0)
            g1.wait()
            pltpu.async_copy(buf1, out_hbm.at[pl.ds(off1, CH)], ss1)
            return carry

        lax.fori_loop(0, nch // 2, body, 0)
        pltpu.make_async_copy(buf0, out_hbm.at[pl.ds(base, CH)], ss0).wait()
        pltpu.make_async_copy(buf1, out_hbm.at[pl.ds(base, CH)], ss1).wait()

    return k(xln_flat, g3)


def kernel(x, ln_w, ln_b, local_idx):
    B = x.shape[0]
    lidxT = local_idx.astype(jnp.int32).T
    xln, gidxT = _stage1(x, ln_w, ln_b, lidxT)
    g_flat = jnp.swapaxes(gidxT, 1, 2).reshape(-1)
    out_flat = _stage2(xln.reshape(B * NP, D), g_flat.reshape(32, -1, CH))
    return out_flat.reshape(B, N, K4, D)

# --- scband reference (transcript-rebuilt; emitter-appended) ---
"""Pipeline reference for scband-patch-head-73967926771912 (READ-ONLY COPY).

The authoritative reference and input builder live on the scoring server;
editing this copy changes nothing except your own understanding.
"""

import jax, jax.numpy as jnp
import numpy as np
import math


def get_local_index(N_patches, k_size):
    s = int(math.sqrt(N_patches))
    out = []
    for i in range(N_patches):
        ix, iy = i // s, i % s
        wx = np.zeros(s)
        wy = np.zeros(s)
        wx[ix] = 1
        wy[iy] = 1
        for j in range(1, k_size // 2 + 1):
            wx[(ix + j) % s] = 1
            wx[(ix - j) % s] = 1
            wy[(iy + j) % s] = 1
            wy[(iy - j) % s] = 1
        w = (wy[None, :] * wx[:, None]).reshape(-1)
        w[i] = 0
        out.append(np.nonzero(w)[0])
    return np.stack(out).astype(np.int64)


def setup_inputs(seed: int = 0):
    key = jax.random.key(seed)
    k1, = jax.random.split(key, 1)
    B, N, D = 64, 196, 768
    x = jax.random.normal(k1, (B, N, D), dtype=jnp.float32)
    ln_w = jnp.ones((D,), dtype=jnp.float32)
    ln_b = jnp.zeros((D,), dtype=jnp.float32)
    local_idx = jnp.asarray(get_local_index(N, 3))  # [196, 8], k_size=3 ring neighborhood
    return {"x": x, "ln_w": ln_w, "ln_b": ln_b, "local_idx": local_idx}


def reference(x, ln_w, ln_b, local_idx):
    k_num = 4
    # F.normalize(x, dim=-1) with eps=1e-12
    nrm = jnp.linalg.norm(x, axis=-1, keepdims=True)
    x_norm = x / jnp.maximum(nrm, 1e-12)
    # gather the k_size**2 - 1 = 8 local neighbors per patch
    neigh = x_norm[:, local_idx]  # [B, N, 8, D]
    # sim_matrix = x_norm[:, local_idx] @ x_norm.unsqueeze(2).transpose(-2, -1) -> [B, N, 8]
    sim = jnp.einsum('bnkd,bnd->bnk', neigh, x_norm)
    # top-k over local neighbors
    _, top_idx = jax.lax.top_k(sim, k_num)  # [B, N, k_num]
    # gather original (un-normalized) features of top-k neighbors
    x_loc_all = x[:, local_idx]  # [B, N, 8, D]
    x_loc = jnp.take_along_axis(x_loc_all, top_idx[..., None], axis=2)  # [B, N, k_num, D]
    # final LayerNorm (self.norm, eps=1e-6) applied to selected local tokens
    mu = jnp.mean(x_loc, axis=-1, keepdims=True)
    var = jnp.var(x_loc, axis=-1, keepdims=True)
    out = (x_loc - mu) / jnp.sqrt(var + 1e-06) * ln_w + ln_b
    return out

if __name__ == "__main__":
    import jax
    _d = setup_inputs()
    print(jax.jit(kernel)(*tuple(_d.values())))

</pallas_src>

<mosaic_0001>
#map = affine_map<(d0, d1) -> (0, 0)>
#map1 = affine_map<(d0, d1) -> (0, 0, 0)>
module attributes {stable_mosaic.version = 14 : i64} {
  func.func @k(%arg0: i32, %arg1: i32, %arg2: memref<12800x768xf32, #tpu.memory_space<hbm>>, %arg3: memref<32x28x56xi32, #tpu.memory_space<hbm>>, %arg4: memref<50176x768xf32, #tpu.memory_space<hbm>>, %arg5: memref<28x56xi32, #tpu.memory_space<vmem>>, %arg6: memref<56x768xf32, #tpu.memory_space<vmem>>, %arg7: memref<56x768xf32, #tpu.memory_space<vmem>>, %arg8: memref<!tpu.dma_semaphore, #tpu.memory_space<semaphore_mem>>, %arg9: memref<!tpu.dma_semaphore, #tpu.memory_space<semaphore_mem>>, %arg10: memref<!tpu.dma_semaphore, #tpu.memory_space<semaphore_mem>>, %arg11: memref<!tpu.dma_semaphore, #tpu.memory_space<semaphore_mem>>) attributes {dimension_semantics = [#tpu.dimension_semantics<core_parallel>, #tpu.dimension_semantics<subcore_parallel>], iteration_bounds = array<i64: 2, 16>, scalar_prefetch = 0 : i64, scratch_operands = 7 : i64, tpu.core_type = #tpu.core_type<sc_vector_subcore>, window_params = [{transform_indices = #map}, {transform_indices = #map1}, {transform_indices = #map}]} {
    %mul3A = arith.constant 2 : i32
    %mul3A_0 = arith.muli %arg1, %mul3A : i32
    %add3A = arith.addi %mul3A_0, %arg0 : i32
    %mul3A_1 = arith.constant 1568 : i32
    %mul3A_2 = arith.muli %add3A, %mul3A_1 : i32
    "tpu.region"() ({
      %run_scoped3A = tpu.sem_alloc : memref<!tpu.dma_semaphore, #tpu.memory_space<semaphore_mem>>
      %dma_start3A = arith.constant 0 : i32
      %dma_start3A_15 = arith.constant 0 : i32
      %dma_start3A_16 = tpu.memref_slice %arg3[%add3A, %dma_start3A, %dma_start3A_15] : memref<32x28x56xi32, #tpu.memory_space<hbm>> -> memref<1x28x56xi32, #tpu.memory_space<hbm>>
      %dma_start3A_17 = tpu.memref_squeeze %dma_start3A_16 : memref<1x28x56xi32, #tpu.memory_space<hbm>> -> memref<28x56xi32, #tpu.memory_space<hbm>>
      %dma_start3A_18 = arith.constant 0 : i32
      %dma_start3A_19 = arith.constant 0 : i32
      %dma_start3A_20 = tpu.memref_slice %arg3[%add3A, %dma_start3A_18, %dma_start3A_19] : memref<32x28x56xi32, #tpu.memory_space<hbm>> -> memref<1x28x56xi32, #tpu.memory_space<hbm>>
      %dma_start3A_21 = tpu.memref_squeeze %dma_start3A_20 : memref<1x28x56xi32, #tpu.memory_space<hbm>> -> memref<28x56xi32, #tpu.memory_space<hbm>>
      tpu.enqueue_dma source(%dma_start3A_21 : memref<28x56xi32, #tpu.memory_space<hbm>>) target(%arg5 : memref<28x56xi32, #tpu.memory_space<vmem>>) target_semaphore(%run_scoped3A : memref<!tpu.dma_semaphore, #tpu.memory_space<semaphore_mem>>)
      %dma_wait3A_22 = arith.constant 0 : i32
      %dma_wait3A_23 = arith.constant 0 : i32
      %dma_wait3A_24 = tpu.memref_slice %arg3[%add3A, %dma_wait3A_22, %dma_wait3A_23] : memref<32x28x56xi32, #tpu.memory_space<hbm>> -> memref<1x28x56xi32, #tpu.memory_space<hbm>>
      %dma_wait3A_25 = tpu.memref_squeeze %dma_wait3A_24 : memref<1x28x56xi32, #tpu.memory_space<hbm>> -> memref<28x56xi32, #tpu.memory_space<hbm>>
      %dma_wait3A_26 = arith.constant 0 : i32
      %dma_wait3A_27 = arith.constant 0 : i32
      %dma_wait3A_28 = tpu.memref_slice %arg3[%add3A, %dma_wait3A_26, %dma_wait3A_27] : memref<32x28x56xi32, #tpu.memory_space<hbm>> -> memref<1x28x56xi32, #tpu.memory_space<hbm>>
      %dma_wait3A_29 = tpu.memref_squeeze %dma_wait3A_28 : memref<1x28x56xi32, #tpu.memory_space<hbm>> -> memref<28x56xi32, #tpu.memory_space<hbm>>
      tpu.wait_dma2 semaphore(%run_scoped3A : memref<!tpu.dma_semaphore, #tpu.memory_space<semaphore_mem>>) src(%dma_wait3A_29 : memref<28x56xi32, #tpu.memory_space<hbm>>) dst(%arg5 : memref<28x56xi32, #tpu.memory_space<vmem>>)
      tpu.yield
    }) : () -> ()
    %scan3A = arith.constant 0 : i32
    %scan3A_3 = arith.constant 0 : i32
    %scan3A_4 = arith.constant 14 : i32
    %scan3A_5 = arith.addi %scan3A_3, %scan3A_4 : i32
    %scan3A_6 = arith.constant 1 : i32
    scf.for %scan3A_15 = %scan3A_3 to %scan3A_5 step %scan3A_6  : i32 {
      %mul3A_16 = arith.constant 2 : i32
      %mul3A_17 = arith.muli %scan3A_15, %mul3A_16 : i32
      %mul3A_18 = arith.constant 56 : i32
      %mul3A_19 = arith.muli %mul3A_17, %mul3A_18 : i32
      %add3A_20 = arith.addi %mul3A_2, %mul3A_19 : i32
      %add3A_21 = arith.constant 56 : i32
      %add3A_22 = arith.addi %add3A_20, %add3A_21 : i32
      %gt3A = arith.constant 0 : i32
      %gt3A_23 = arith.cmpi sgt, %scan3A_15, %gt3A : i32
      %convert_element_type3A = arith.extui %gt3A_23 : i1 to i32
      %cond3A = arith.constant 0 : i32
      %cond3A_24 = arith.cmpi ne, %convert_element_type3A, %cond3A : i32
      scf.if %cond3A_24 {
        %dma_wait3A_63 = arith.constant 0 : i32
        %dma_wait3A_64 = tpu.memref_slice %arg4[%add3A_20, %dma_wait3A_63] : memref<50176x768xf32, #tpu.memory_space<hbm>> -> memref<56x768xf32, #tpu.memory_space<hbm>>
        %dma_wait3A_65 = arith.constant 0 : i32
        %dma_wait3A_66 = tpu.memref_slice %arg4[%add3A_20, %dma_wait3A_65] : memref<50176x768xf32, #tpu.memory_space<hbm>> -> memref<56x768xf32, #tpu.memory_space<hbm>>
        tpu.wait_dma2 semaphore(%arg10 : memref<!tpu.dma_semaphore, #tpu.memory_space<semaphore_mem>>) src(%arg6 : memref<56x768xf32, #tpu.memory_space<vmem>>) dst(%dma_wait3A_66 : memref<56x768xf32, #tpu.memory_space<hbm>>)
      } else {
      }
      %dma_start3A = arith.constant 0 : i32
      %dma_start3A_25 = tpu.memref_slice %arg5[%mul3A_17, %dma_start3A] : memref<28x56xi32, #tpu.memory_space<vmem>> -> memref<1x56xi32, #tpu.memory_space<vmem>>
      %dma_start3A_26 = tpu.memref_squeeze %dma_start3A_25 : memref<1x56xi32, #tpu.memory_space<vmem>> -> memref<56xi32, #tpu.memory_space<vmem>>
      %dma_start3A_27 = arith.constant 0 : i32
      %dma_start3A_28 = arith.constant 0 : i32
      %dma_start3A_29 = tpu.memref_slice %arg2[%dma_start3A_27, %dma_start3A_28] : memref<12800x768xf32, #tpu.memory_space<hbm>> -> memref<12800x768xf32, #tpu.memory_space<hbm>>
      tpu.enqueue_indirect_dma source(%dma_start3A_29 : memref<12800x768xf32, #tpu.memory_space<hbm>>) target(%arg6 : memref<56x768xf32, #tpu.memory_space<vmem>>) offsets(%dma_start3A_26 : memref<56xi32, #tpu.memory_space<vmem>>) semaphore(%arg8 : memref<!tpu.dma_semaphore, #tpu.memory_space<semaphore_mem>>)
      %gt3A_30 = arith.constant 0 : i32
      %gt3A_31 = arith.cmpi sgt, %scan3A_15, %gt3A_30 : i32
      %convert_element_type3A_32 = arith.extui %gt3A_31 : i1 to i32
      %cond3A_33 = arith.constant 0 : i32
      %cond3A_34 = arith.cmpi ne, %convert_element_type3A_32, %cond3A_33 : i32
      scf.if %cond3A_34 {
        %dma_wait3A_63 = arith.constant 0 : i32
        %dma_wait3A_64 = tpu.memref_slice %arg4[%add3A_22, %dma_wait3A_63] : memref<50176x768xf32, #tpu.memory_space<hbm>> -> memref<56x768xf32, #tpu.memory_space<hbm>>
        %dma_wait3A_65 = arith.constant 0 : i32
        %dma_wait3A_66 = tpu.memref_slice %arg4[%add3A_22, %dma_wait3A_65] : memref<50176x768xf32, #tpu.memory_space<hbm>> -> memref<56x768xf32, #tpu.memory_space<hbm>>
        tpu.wait_dma2 semaphore(%arg11 : memref<!tpu.dma_semaphore, #tpu.memory_space<semaphore_mem>>) src(%arg7 : memref<56x768xf32, #tpu.memory_space<vmem>>) dst(%dma_wait3A_66 : memref<56x768xf32, #tpu.memory_space<hbm>>)
      } else {
      }
      %add3A_35 = arith.constant 1 : i32
      %add3A_36 = arith.addi %mul3A_17, %add3A_35 : i32
      %dma_start3A_37 = arith.constant 0 : i32
      %dma_start3A_38 = tpu.memref_slice %arg5[%add3A_36, %dma_start3A_37] : memref<28x56xi32, #tpu.memory_space<vmem>> -> memref<1x56xi32, #tpu.memory_space<vmem>>
      %dma_start3A_39 = tpu.memref_squeeze %dma_start3A_38 : memref<1x56xi32, #tpu.memory_space<vmem>> -> memref<56xi32, #tpu.memory_space<vmem>>
      %dma_start3A_40 = arith.constant 0 : i32
      %dma_start3A_41 = arith.constant 0 : i32
      %dma_start3A_42 = tpu.memref_slice %arg2[%dma_start3A_40, %dma_start3A_41] : memref<12800x768xf32, #tpu.memory_space<hbm>> -> memref<12800x768xf32, #tpu.memory_space<hbm>>
      tpu.enqueue_indirect_dma source(%dma_start3A_42 : memref<12800x768xf32, #tpu.memory_space<hbm>>) target(%arg7 : memref<56x768xf32, #tpu.memory_space<vmem>>) offsets(%dma_start3A_39 : memref<56xi32, #tpu.memory_space<vmem>>) semaphore(%arg9 : memref<!tpu.dma_semaphore, #tpu.memory_space<semaphore_mem>>)
      %dma_wait3A_43 = arith.constant 0 : i32
      %dma_wait3A_44 = tpu.memref_slice %arg5[%mul3A_17, %dma_wait3A_43] : memref<28x56xi32, #tpu.memory_space<vmem>> -> memref<1x56xi32, #tpu.memory_space<vmem>>
      %dma_wait3A_45 = tpu.memref_squeeze %dma_wait3A_44 : memref<1x56xi32, #tpu.memory_space<vmem>> -> memref<56xi32, #tpu.memory_space<vmem>>
      %dma_wait3A_46 = arith.constant 0 : i32
      %dma_wait3A_47 = arith.constant 0 : i32
      %dma_wait3A_48 = tpu.memref_slice %arg2[%dma_wait3A_46, %dma_wait3A_47] : memref<12800x768xf32, #tpu.memory_space<hbm>> -> memref<12800x768xf32, #tpu.memory_space<hbm>>
      tpu.wait_indirect_dma semaphore(%arg8 : memref<!tpu.dma_semaphore, #tpu.memory_space<semaphore_mem>>) src(%dma_wait3A_48 : memref<12800x768xf32, #tpu.memory_space<hbm>>) dst(%arg6 : memref<56x768xf32, #tpu.memory_space<vmem>>)
      %dma_start3A_49 = arith.constant 0 : i32
      %dma_start3A_50 = tpu.memref_slice %arg4[%add3A_20, %dma_start3A_49] : memref<50176x768xf32, #tpu.memory_space<hbm>> -> memref<56x768xf32, #tpu.memory_space<hbm>>
      %dma_start3A_51 = arith.constant 0 : i32
      %dma_start3A_52 = tpu.memref_slice %arg4[%add3A_20, %dma_start3A_51] : memref<50176x768xf32, #tpu.memory_space<hbm>> -> memref<56x768xf32, #tpu.memory_space<hbm>>
      tpu.enqueue_dma source(%arg6 : memref<56x768xf32, #tpu.memory_space<vmem>>) target(%dma_start3A_52 : memref<56x768xf32, #tpu.memory_space<hbm>>) target_semaphore(%arg10 : memref<!tpu.dma_semaphore, #tpu.memory_space<semaphore_mem>>)
      %dma_wait3A_53 = arith.constant 0 : i32
      %dma_wait3A_54 = tpu.memref_slice %arg5[%add3A_36, %dma_wait3A_53] : memref<28x56xi32, #tpu.memory_space<vmem>> -> memref<1x56xi32, #tpu.memory_space<vmem>>
      %dma_wait3A_55 = tpu.memref_squeeze %dma_wait3A_54 : memref<1x56xi32, #tpu.memory_space<vmem>> -> memref<56xi32, #tpu.memory_space<vmem>>
      %dma_wait3A_56 = arith.constant 0 : i32
      %dma_wait3A_57 = arith.constant 0 : i32
      %dma_wait3A_58 = tpu.memref_slice %arg2[%dma_wait3A_56, %dma_wait3A_57] : memref<12800x768xf32, #tpu.memory_space<hbm>> -> memref<12800x768xf32, #tpu.memory_space<hbm>>
      tpu.wait_indirect_dma semaphore(%arg9 : memref<!tpu.dma_semaphore, #tpu.memory_space<semaphore_mem>>) src(%dma_wait3A_58 : memref<12800x768xf32, #tpu.memory_space<hbm>>) dst(%arg7 : memref<56x768xf32, #tpu.memory_space<vmem>>)
      %dma_start3A_59 = arith.constant 0 : i32
      %dma_start3A_60 = tpu.memref_slice %arg4[%add3A_22, %dma_start3A_59] : memref<50176x768xf32, #tpu.memory_space<hbm>> -> memref<56x768xf32, #tpu.memory_space<hbm>>
      %dma_start3A_61 = arith.constant 0 : i32
      %dma_start3A_62 = tpu.memref_slice %arg4[%add3A_22, %dma_start3A_61] : memref<50176x768xf32, #tpu.memory_space<hbm>> -> memref<56x768xf32, #tpu.memory_space<hbm>>
      tpu.enqueue_dma source(%arg7 : memref<56x768xf32, #tpu.memory_space<vmem>>) target(%dma_start3A_62 : memref<56x768xf32, #tpu.memory_space<hbm>>) target_semaphore(%arg11 : memref<!tpu.dma_semaphore, #tpu.memory_space<semaphore_mem>>)
    }
    %scan3A_7 = arith.constant 14 : i32
    %dma_wait3A = arith.constant 0 : i32
    %dma_wait3A_8 = tpu.memref_slice %arg4[%mul3A_2, %dma_wait3A] : memref<50176x768xf32, #tpu.memory_space<hbm>> -> memref<56x768xf32, #tpu.memory_space<hbm>>
    %dma_wait3A_9 = arith.constant 0 : i32
    %dma_wait3A_10 = tpu.memref_slice %arg4[%mul3A_2, %dma_wait3A_9] : memref<50176x768xf32, #tpu.memory_space<hbm>> -> memref<56x768xf32, #tpu.memory_space<hbm>>
    tpu.wait_dma2 semaphore(%arg10 : memref<!tpu.dma_semaphore, #tpu.memory_space<semaphore_mem>>) src(%arg6 : memref<56x768xf32, #tpu.memory_space<vmem>>) dst(%dma_wait3A_10 : memref<56x768xf32, #tpu.memory_space<hbm>>)
    %dma_wait3A_11 = arith.constant 0 : i32
    %dma_wait3A_12 = tpu.memref_slice %arg4[%mul3A_2, %dma_wait3A_11] : memref<50176x768xf32, #tpu.memory_space<hbm>> -> memref<56x768xf32, #tpu.memory_space<hbm>>
    %dma_wait3A_13 = arith.constant 0 : i32
    %dma_wait3A_14 = tpu.memref_slice %arg4[%mul3A_2, %dma_wait3A_13] : memref<50176x768xf32, #tpu.memory_space<hbm>> -> memref<56x768xf32, #tpu.memory_space<hbm>>
    tpu.wait_dma2 semaphore(%arg11 : memref<!tpu.dma_semaphore, #tpu.memory_space<semaphore_mem>>) src(%arg7 : memref<56x768xf32, #tpu.memory_space<vmem>>) dst(%dma_wait3A_14 : memref<56x768xf32, #tpu.memory_space<hbm>>)
    return
  }
}

module attributes {stable_mosaic.version = 14 : i64} {
  func.func @_stage1_body(%arg0: i32, %arg1: memref<1x196x768xf32, #tpu.memory_space<vmem>>, %arg2: memref<8x196xi32, #tpu.memory_space<vmem>>, %arg3: memref<768xf32, #tpu.memory_space<vmem>>, %arg4: memref<768xf32, #tpu.memory_space<vmem>>, %arg5: memref<1x200x768xf32, #tpu.memory_space<vmem>>, %arg6: memref<1x4x196xi32, #tpu.memory_space<vmem>>) attributes {dimension_semantics = [#tpu.dimension_semantics<arbitrary>], iteration_bounds = array<i64: 64>, scalar_prefetch = 0 : i64, scratch_operands = 0 : i64, tpu.core_type = #tpu.core_type<tc>, window_params = [{transform_indices = @transform_0, window_bounds = array<i64: 1, 196, 768>}, {pipeline_mode = #tpu.pipeline_mode<synchronous>, transform_indices = @transform_1, window_bounds = array<i64: 8, 196>}, {pipeline_mode = #tpu.pipeline_mode<synchronous>, transform_indices = @transform_2, window_bounds = array<i64: 768>}, {pipeline_mode = #tpu.pipeline_mode<synchronous>, transform_indices = @transform_3, window_bounds = array<i64: 768>}, {transform_indices = @transform_4, window_bounds = array<i64: 1, 200, 768>}, {transform_indices = @transform_5, window_bounds = array<i64: 1, 4, 196>}]} {
    %get3A = arith.constant 0 : index
    %get3A_0 = arith.constant 0 : index
    %get3A_1 = arith.constant 0 : index
    %get3A_2 = vector.load %arg1[%get3A, %get3A_0, %get3A_1] : memref<1x196x768xf32, #tpu.memory_space<vmem>>, vector<1x196x768xf32>
    %get3A_3 = vector.shape_cast %get3A_2 : vector<1x196x768xf32> to vector<196x768xf32>
    %get3A_4 = arith.constant 0 : index
    %get3A_5 = arith.constant 0 : index
    %get3A_6 = vector.load %arg2[%get3A_4, %get3A_5] : memref<8x196xi32, #tpu.memory_space<vmem>>, vector<8x196xi32>
    %mul3A = arith.mulf %get3A_3, %get3A_3 : vector<196x768xf32>
    %reduce_sum3A = arith.constant dense<0.000000e+00> : vector<196xf32>
    %reduce_sum3A_7 = vector.multi_reduction <add>, %mul3A, %reduce_sum3A [1] : vector<196x768xf32> to vector<196xf32>
    %broadcast_in_dim3A = vector.shape_cast %reduce_sum3A_7 : vector<196xf32> to vector<196x1xf32>
    %sqrt3A = math.sqrt %broadcast_in_dim3A : vector<196x1xf32>
    %max3A = arith.constant 9.99999996E-13 : f32
    %max3A_8 = vector.broadcast %max3A : f32 to vector<196x1xf32>
    %max3A_9 = arith.maximumf %sqrt3A, %max3A_8 : vector<196x1xf32>
    %div3A = vector.broadcast %max3A_9 : vector<196x1xf32> to vector<196x768xf32>
    %div3A_10 = arith.divf %get3A_3, %div3A : vector<196x768xf32>
    %convert_element_type3A = arith.truncf %div3A_10 : vector<196x768xf32> to vector<196x768xbf16>
    %dot_general3A = arith.constant dense<0.000000e+00> : vector<196x196xf32>
    %dot_general3A_11 = tpu.matmul %convert_element_type3A, %convert_element_type3A, %dot_general3A {dimension_numbers = #tpu.dot_dimension_numbers<[1], [1], [0], [0], [0, 0, 1, 0], [], []>, transpose_lhs_hint = false} : vector<196x768xbf16>, vector<196x768xbf16>, vector<196x196xf32> -> vector<196x196xf32>
    %iota3A = tpu.iota {dimensions = array<i32: 0>} : vector<196x196xi32>
    %slice3A = vector.extract_strided_slice %get3A_6 {offsets = [0, 0], sizes = [1, 196], strides = [1, 1]} : vector<8x196xi32> to vector<1x196xi32>
    %squeeze3A = vector.shape_cast %slice3A : vector<1x196xi32> to vector<196xi32>
    %broadcast_in_dim3A_12 = vector.shape_cast %squeeze3A : vector<196xi32> to vector<1x196xi32>
    %eq3A = vector.broadcast %broadcast_in_dim3A_12 : vector<1x196xi32> to vector<196x196xi32>
    %eq3A_13 = arith.cmpi eq, %iota3A, %eq3A : vector<196x196xi32>
    %jit3A = arith.constant 0.000000e+00 : f32
    %broadcast_in_dim3A_14 = vector.broadcast %jit3A : f32 to vector<196x196xf32>
    %select_n3A = arith.select %eq3A_13, %dot_general3A_11, %broadcast_in_dim3A_14 : vector<196x196xi1>, vector<196x196xf32>
    %reduce_sum3A_15 = arith.constant dense<0.000000e+00> : vector<196xf32>
    %reduce_sum3A_16 = vector.multi_reduction <add>, %select_n3A, %reduce_sum3A_15 [0] : vector<196x196xf32> to vector<196xf32>
    %broadcast_in_dim3A_17 = vector.shape_cast %reduce_sum3A_16 : vector<196xf32> to vector<1x196xf32>
    %slice3A_18 = vector.extract_strided_slice %get3A_6 {offsets = [1, 0], sizes = [1, 196], strides = [1, 1]} : vector<8x196xi32> to vector<1x196xi32>
    %squeeze3A_19 = vector.shape_cast %slice3A_18 : vector<1x196xi32> to vector<196xi32>
    %broadcast_in_dim3A_20 = vector.shape_cast %squeeze3A_19 : vector<196xi32> to vector<1x196xi32>
    %eq3A_21 = vector.broadcast %broadcast_in_dim3A_20 : vector<1x196xi32> to vector<196x196xi32>
    %eq3A_22 = arith.cmpi eq, %iota3A, %eq3A_21 : vector<196x196xi32>
    %jit3A_23 = arith.constant 0.000000e+00 : f32
    %broadcast_in_dim3A_24 = vector.broadcast %jit3A_23 : f32 to vector<196x196xf32>
    %select_n3A_25 = arith.select %eq3A_22, %dot_general3A_11, %broadcast_in_dim3A_24 : vector<196x196xi1>, vector<196x196xf32>
    %reduce_sum3A_26 = arith.constant dense<0.000000e+00> : vector<196xf32>
    %reduce_sum3A_27 = vector.multi_reduction <add>, %select_n3A_25, %reduce_sum3A_26 [0] : vector<196x196xf32> to vector<196xf32>
    %broadcast_in_dim3A_28 = vector.shape_cast %reduce_sum3A_27 : vector<196xf32> to vector<1x196xf32>
    %slice3A_29 = vector.extract_strided_slice %get3A_6 {offsets = [2, 0], sizes = [1, 196], strides = [1, 1]} : vector<8x196xi32> to vector<1x196xi32>
    %squeeze3A_30 = vector.shape_cast %slice3A_29 : vector<1x196xi32> to vector<196xi32>
    %broadcast_in_dim3A_31 = vector.shape_cast %squeeze3A_30 : vector<196xi32> to vector<1x196xi32>
    %eq3A_32 = vector.broadcast %broadcast_in_dim3A_31 : vector<1x196xi32> to vector<196x196xi32>
    %eq3A_33 = arith.cmpi eq, %iota3A, %eq3A_32 : vector<196x196xi32>
    %jit3A_34 = arith.constant 0.000000e+00 : f32
    %broadcast_in_dim3A_35 = vector.broadcast %jit3A_34 : f32 to vector<196x196xf32>
    %select_n3A_36 = arith.select %eq3A_33, %dot_general3A_11, %broadcast_in_dim3A_35 : vector<196x196xi1>, vector<196x196xf32>
    %reduce_sum3A_37 = arith.constant dense<0.000000e+00> : vector<196xf32>
    %reduce_sum3A_38 = vector.multi_reduction <add>, %select_n3A_36, %reduce_sum3A_37 [0] : vector<196x196xf32> to vector<196xf32>
    %broadcast_in_dim3A_39 = vector.shape_cast %reduce_sum3A_38 : vector<196xf32> to vector<1x196xf32>
    %slice3A_40 = vector.extract_strided_slice %get3A_6 {offsets = [3, 0], sizes = [1, 196], strides = [1, 1]} : vector<8x196xi32> to vector<1x196xi32>
    %squeeze3A_41 = vector.shape_cast %slice3A_40 : vector<1x196xi32> to vector<196xi32>
    %broadcast_in_dim3A_42 = vector.shape_cast %squeeze3A_41 : vector<196xi32> to vector<1x196xi32>
    %eq3A_43 = vector.broadcast %broadcast_in_dim3A_42 : vector<1x196xi32> to vector<196x196xi32>
    %eq3A_44 = arith.cmpi eq, %iota3A, %eq3A_43 : vector<196x196xi32>
    %jit3A_45 = arith.constant 0.000000e+00 : f32
    %broadcast_in_dim3A_46 = vector.broadcast %jit3A_45 : f32 to vector<196x196xf32>
    %select_n3A_47 = arith.select %eq3A_44, %dot_general3A_11, %broadcast_in_dim3A_46 : vector<196x196xi1>, vector<196x196xf32>
    %reduce_sum3A_48 = arith.constant dense<0.000000e+00> : vector<196xf32>
    %reduce_sum3A_49 = vector.multi_reduction <add>, %select_n3A_47, %reduce_sum3A_48 [0] : vector<196x196xf32> to vector<196xf32>
    %broadcast_in_dim3A_50 = vector.shape_cast %reduce_sum3A_49 : vector<196xf32> to vector<1x196xf32>
    %slice3A_51 = vector.extract_strided_slice %get3A_6 {offsets = [4, 0], sizes = [1, 196], strides = [1, 1]} : vector<8x196xi32> to vector<1x196xi32>
    %squeeze3A_52 = vector.shape_cast %slice3A_51 : vector<1x196xi32> to vector<196xi32>
    %broadcast_in_dim3A_53 = vector.shape_cast %squeeze3A_52 : vector<196xi32> to vector<1x196xi32>
    %eq3A_54 = vector.broadcast %broadcast_in_dim3A_53 : vector<1x196xi32> to vector<196x196xi32>
    %eq3A_55 = arith.cmpi eq, %iota3A, %eq3A_54 : vector<196x196xi32>
    %jit3A_56 = arith.constant 0.000000e+00 : f32
    %broadcast_in_dim3A_57 = vector.broadcast %jit3A_56 : f32 to vector<196x196xf32>
    %select_n3A_58 = arith.select %eq3A_55, %dot_general3A_11, %broadcast_in_dim3A_57 : vector<196x196xi1>, vector<196x196xf32>
    %reduce_sum3A_59 = arith.constant dense<0.000000e+00> : vector<196xf32>
    %reduce_sum3A_60 = vector.multi_reduction <add>, %select_n3A_58, %reduce_sum3A_59 [0] : vector<196x196xf32> to vector<196xf32>
    %broadcast_in_dim3A_61 = vector.shape_cast %reduce_sum3A_60 : vector<196xf32> to vector<1x196xf32>
    %slice3A_62 = vector.extract_strided_slice %get3A_6 {offsets = [5, 0], sizes = [1, 196], strides = [1, 1]} : vector<8x196xi32> to vector<1x196xi32>
    %squeeze3A_63 = vector.shape_cast %slice3A_62 : vector<1x196xi32> to vector<196xi32>
    %broadcast_in_dim3A_64 = vector.shape_cast %squeeze3A_63 : vector<196xi32> to vector<1x196xi32>
    %eq3A_65 = vector.broadcast %broadcast_in_dim3A_64 : vector<1x196xi32> to vector<196x196xi32>
    %eq3A_66 = arith.cmpi eq, %iota3A, %eq3A_65 : vector<196x196xi32>
    %jit3A_67 = arith.constant 0.000000e+00 : f32
    %broadcast_in_dim3A_68 = vector.broadcast %jit3A_67 : f32 to vector<196x196xf32>
    %select_n3A_69 = arith.select %eq3A_66, %dot_general3A_11, %broadcast_in_dim3A_68 : vector<196x196xi1>, vector<196x196xf32>
    %reduce_sum3A_70 = arith.constant dense<0.000000e+00> : vector<196xf32>
    %reduce_sum3A_71 = vector.multi_reduction <add>, %select_n3A_69, %reduce_sum3A_70 [0] : vector<196x196xf32> to vector<196xf32>
    %broadcast_in_dim3A_72 = vector.shape_cast %reduce_sum3A_71 : vector<196xf32> to vector<1x196xf32>
    %slice3A_73 = vector.extract_strided_slice %get3A_6 {offsets = [6, 0], sizes = [1, 196], strides = [1, 1]} : vector<8x196xi32> to vector<1x196xi32>
    %squeeze3A_74 = vector.shape_cast %slice3A_73 : vector<1x196xi32> to vector<196xi32>
    %broadcast_in_dim3A_75 = vector.shape_cast %squeeze3A_74 : vector<196xi32> to vector<1x196xi32>
    %eq3A_76 = vector.broadcast %broadcast_in_dim3A_75 : vector<1x196xi32> to vector<196x196xi32>
    %eq3A_77 = arith.cmpi eq, %iota3A, %eq3A_76 : vector<196x196xi32>
    %jit3A_78 = arith.constant 0.000000e+00 : f32
    %broadcast_in_dim3A_79 = vector.broadcast %jit3A_78 : f32 to vector<196x196xf32>
    %select_n3A_80 = arith.select %eq3A_77, %dot_general3A_11, %broadcast_in_dim3A_79 : vector<196x196xi1>, vector<196x196xf32>
    %reduce_sum3A_81 = arith.constant dense<0.000000e+00> : vector<196xf32>
    %reduce_sum3A_82 = vector.multi_reduction <add>, %select_n3A_80, %reduce_sum3A_81 [0] : vector<196x196xf32> to vector<196xf32>
    %broadcast_in_dim3A_83 = vector.shape_cast %reduce_sum3A_82 : vector<196xf32> to vector<1x196xf32>
    %slice3A_84 = vector.extract_strided_slice %get3A_6 {offsets = [7, 0], sizes = [1, 196], strides = [1, 1]} : vector<8x196xi32> to vector<1x196xi32>
    %squeeze3A_85 = vector.shape_cast %slice3A_84 : vector<1x196xi32> to vector<196xi32>
    %broadcast_in_dim3A_86 = vector.shape_cast %squeeze3A_85 : vector<196xi32> to vector<1x196xi32>
    %eq3A_87 = vector.broadcast %broadcast_in_dim3A_86 : vector<1x196xi32> to vector<196x196xi32>
    %eq3A_88 = arith.cmpi eq, %iota3A, %eq3A_87 : vector<196x196xi32>
    %jit3A_89 = arith.constant 0.000000e+00 : f32
    %broadcast_in_dim3A_90 = vector.broadcast %jit3A_89 : f32 to vector<196x196xf32>
    %select_n3A_91 = arith.select %eq3A_88, %dot_general3A_11, %broadcast_in_dim3A_90 : vector<196x196xi1>, vector<196x196xf32>
    %reduce_sum3A_92 = arith.constant dense<0.000000e+00> : vector<196xf32>
    %reduce_sum3A_93 = vector.multi_reduction <add>, %select_n3A_91, %reduce_sum3A_92 [0] : vector<196x196xf32> to vector<196xf32>
    %broadcast_in_dim3A_94 = vector.shape_cast %reduce_sum3A_93 : vector<196xf32> to vector<1x196xf32>
    %concatenate3A = tpu.concatenate %broadcast_in_dim3A_17, %broadcast_in_dim3A_28, %broadcast_in_dim3A_39, %broadcast_in_dim3A_50, %broadcast_in_dim3A_61, %broadcast_in_dim3A_72, %broadcast_in_dim3A_83, %broadcast_in_dim3A_94 in 0 : vector<1x196xf32>, vector<1x196xf32>, vector<1x196xf32>, vector<1x196xf32>, vector<1x196xf32>, vector<1x196xf32>, vector<1x196xf32>, vector<1x196xf32> -> vector<8x196xf32>
    %iota3A_95 = tpu.iota {dimensions = array<i32: 0>} : vector<8x196xi32>
    %broadcast_in_dim3A_96 = arith.constant true
    %broadcast_in_dim3A_97 = vector.broadcast %broadcast_in_dim3A_96 : i1 to vector<8x196xi1>
    %jit3A_98 = arith.constant 0xFF800000 : f32
    %broadcast_in_dim3A_99 = vector.broadcast %jit3A_98 : f32 to vector<8x196xf32>
    %select_n3A_100 = arith.select %broadcast_in_dim3A_97, %concatenate3A, %broadcast_in_dim3A_99 : vector<8x196xi1>, vector<8x196xf32>
    %reduce_max3A = arith.constant dense<0xFF800000> : vector<196xf32>
    %reduce_max3A_101 = vector.multi_reduction <maximumf>, %select_n3A_100, %reduce_max3A [0] : vector<8x196xf32> to vector<196xf32>
    %broadcast_in_dim3A_102 = vector.shape_cast %reduce_max3A_101 : vector<196xf32> to vector<1x196xf32>
    %eq3A_103 = vector.broadcast %broadcast_in_dim3A_102 : vector<1x196xf32> to vector<8x196xf32>
    %eq3A_104 = arith.cmpf oeq, %concatenate3A, %eq3A_103 : vector<8x196xf32>
    %and3A = arith.andi %broadcast_in_dim3A_97, %eq3A_104 : vector<8x196xi1>
    %jit3A_105 = arith.constant 8 : i32
    %broadcast_in_dim3A_106 = vector.broadcast %jit3A_105 : i32 to vector<8x196xi32>
    %select_n3A_107 = arith.select %and3A, %iota3A_95, %broadcast_in_dim3A_106 : vector<8x196xi1>, vector<8x196xi32>
    %reduce_min3A = arith.constant dense<2147483647> : vector<196xi32>
    %reduce_min3A_108 = vector.multi_reduction <minsi>, %select_n3A_107, %reduce_min3A [0] : vector<8x196xi32> to vector<196xi32>
    %broadcast_in_dim3A_109 = vector.shape_cast %reduce_min3A_108 : vector<196xi32> to vector<1x196xi32>
    %eq3A_110 = vector.broadcast %broadcast_in_dim3A_109 : vector<1x196xi32> to vector<8x196xi32>
    %eq3A_111 = arith.cmpi eq, %iota3A_95, %eq3A_110 : vector<8x196xi32>
    %not3A = arith.constant dense<true> : vector<8x196xi1>
    %not3A_112 = arith.xori %eq3A_111, %not3A : vector<8x196xi1>
    %and3A_113 = arith.andi %broadcast_in_dim3A_97, %not3A_112 : vector<8x196xi1>
    %jit3A_114 = arith.constant 0 : i32
    %broadcast_in_dim3A_115 = vector.broadcast %jit3A_114 : i32 to vector<8x196xi32>
    %select_n3A_116 = arith.select %eq3A_111, %get3A_6, %broadcast_in_dim3A_115 : vector<8x196xi1>, vector<8x196xi32>
    %reduce_sum3A_117 = arith.constant dense<0> : vector<196xi32>
    %reduce_sum3A_118 = vector.multi_reduction <add>, %select_n3A_116, %reduce_sum3A_117 [0] : vector<8x196xi32> to vector<196xi32>
    %broadcast_in_dim3A_119 = vector.shape_cast %reduce_sum3A_118 : vector<196xi32> to vector<1x196xi32>
    %jit3A_120 = arith.constant 0xFF800000 : f32
    %broadcast_in_dim3A_121 = vector.broadcast %jit3A_120 : f32 to vector<8x196xf32>
    %select_n3A_122 = arith.select %and3A_113, %concatenate3A, %broadcast_in_dim3A_121 : vector<8x196xi1>, vector<8x196xf32>
    %reduce_max3A_123 = arith.constant dense<0xFF800000> : vector<196xf32>
    %reduce_max3A_124 = vector.multi_reduction <maximumf>, %select_n3A_122, %reduce_max3A_123 [0] : vector<8x196xf32> to vector<196xf32>
    %broadcast_in_dim3A_125 = vector.shape_cast %reduce_max3A_124 : vector<196xf32> to vector<1x196xf32>
    %eq3A_126 = vector.broadcast %broadcast_in_dim3A_125 : vector<1x196xf32> to vector<8x196xf32>
    %eq3A_127 = arith.cmpf oeq, %concatenate3A, %eq3A_126 : vector<8x196xf32>
    %and3A_128 = arith.andi %and3A_113, %eq3A_127 : vector<8x196xi1>
    %jit3A_129 = arith.constant 8 : i32
    %broadcast_in_dim3A_130 = vector.broadcast %jit3A_129 : i32 to vector<8x196xi32>
    %select_n3A_131 = arith.select %and3A_128, %iota3A_95, %broadcast_in_dim3A_130 : vector<8x196xi1>, vector<8x196xi32>
    %reduce_min3A_132 = arith.constant dense<2147483647> : vector<196xi32>
    %reduce_min3A_133 = vector.multi_reduction <minsi>, %select_n3A_131, %reduce_min3A_132 [0] : vector<8x196xi32> to vector<196xi32>
    %broadcast_in_dim3A_134 = vector.shape_cast %reduce_min3A_133 : vector<196xi32> to vector<1x196xi32>
    %eq3A_135 = vector.broadcast %broadcast_in_dim3A_134 : vector<1x196xi32> to vector<8x196xi32>
    %eq3A_136 = arith.cmpi eq, %iota3A_95, %eq3A_135 : vector<8x196xi32>
    %not3A_137 = arith.constant dense<true> : vector<8x196xi1>
    %not3A_138 = arith.xori %eq3A_136, %not3A_137 : vector<8x196xi1>
    %and3A_139 = arith.andi %and3A_113, %not3A_138 : vector<8x196xi1>
    %jit3A_140 = arith.constant 0 : i32
    %broadcast_in_dim3A_141 = vector.broadcast %jit3A_140 : i32 to vector<8x196xi32>
    %select_n3A_142 = arith.select %eq3A_136, %get3A_6, %broadcast_in_dim3A_141 : vector<8x196xi1>, vector<8x196xi32>
    %reduce_sum3A_143 = arith.constant dense<0> : vector<196xi32>
    %reduce_sum3A_144 = vector.multi_reduction <add>, %select_n3A_142, %reduce_sum3A_143 [0] : vector<8x196xi32> to vector<196xi32>
    %broadcast_in_dim3A_145 = vector.shape_cast %reduce_sum3A_144 : vector<196xi32> to vector<1x196xi32>
    %jit3A_146 = arith.constant 0xFF800000 : f32
    %broadcast_in_dim3A_147 = vector.broadcast %jit3A_146 : f32 to vector<8x196xf32>
    %select_n3A_148 = arith.select %and3A_139, %concatenate3A, %broadcast_in_dim3A_147 : vector<8x196xi1>, vector<8x196xf32>
    %reduce_max3A_149 = arith.constant dense<0xFF800000> : vector<196xf32>
    %reduce_max3A_150 = vector.multi_reduction <maximumf>, %select_n3A_148, %reduce_max3A_149 [0] : vector<8x196xf32> to vector<196xf32>
    %broadcast_in_dim3A_151 = vector.shape_cast %reduce_max3A_150 : vector<196xf32> to vector<1x196xf32>
    %eq3A_152 = vector.broadcast %broadcast_in_dim3A_151 : vector<1x196xf32> to vector<8x196xf32>
    %eq3A_153 = arith.cmpf oeq, %concatenate3A, %eq3A_152 : vector<8x196xf32>
    %and3A_154 = arith.andi %and3A_139, %eq3A_153 : vector<8x196xi1>
    %jit3A_155 = arith.constant 8 : i32
    %broadcast_in_dim3A_156 = vector.broadcast %jit3A_155 : i32 to vector<8x196xi32>
    %select_n3A_157 = arith.select %and3A_154, %iota3A_95, %broadcast_in_dim3A_156 : vector<8x196xi1>, vector<8x196xi32>
    %reduce_min3A_158 = arith.constant dense<2147483647> : vector<196xi32>
    %reduce_min3A_159 = vector.multi_reduction <minsi>, %select_n3A_157, %reduce_min3A_158 [0] : vector<8x196xi32> to vector<196xi32>
    %broadcast_in_dim3A_160 = vector.shape_cast %reduce_min3A_159 : vector<196xi32> to vector<1x196xi32>
    %eq3A_161 = vector.broadcast %broadcast_in_dim3A_160 : vector<1x196xi32> to vector<8x196xi32>
    %eq3A_162 = arith.cmpi eq, %iota3A_95, %eq3A_161 : vector<8x196xi32>
    %not3A_163 = arith.constant dense<true> : vector<8x196xi1>
    %not3A_164 = arith.xori %eq3A_162, %not3A_163 : vector<8x196xi1>
    %and3A_165 = arith.andi %and3A_139, %not3A_164 : vector<8x196xi1>
    %jit3A_166 = arith.constant 0 : i32
    %broadcast_in_dim3A_167 = vector.broadcast %jit3A_166 : i32 to vector<8x196xi32>
    %select_n3A_168 = arith.select %eq3A_162, %get3A_6, %broadcast_in_dim3A_167 : vector<8x196xi1>, vector<8x196xi32>
    %reduce_sum3A_169 = arith.constant dense<0> : vector<196xi32>
    %reduce_sum3A_170 = vector.multi_reduction <add>, %select_n3A_168, %reduce_sum3A_169 [0] : vector<8x196xi32> to vector<196xi32>
    %broadcast_in_dim3A_171 = vector.shape_cast %reduce_sum3A_170 : vector<196xi32> to vector<1x196xi32>
    %jit3A_172 = arith.constant 0xFF800000 : f32
    %broadcast_in_dim3A_173 = vector.broadcast %jit3A_172 : f32 to vector<8x196xf32>
    %select_n3A_174 = arith.select %and3A_165, %concatenate3A, %broadcast_in_dim3A_173 : vector<8x196xi1>, vector<8x196xf32>
    %reduce_max3A_175 = arith.constant dense<0xFF800000> : vector<196xf32>
    %reduce_max3A_176 = vector.multi_reduction <maximumf>, %select_n3A_174, %reduce_max3A_175 [0] : vector<8x196xf32> to vector<196xf32>
    %broadcast_in_dim3A_177 = vector.shape_cast %reduce_max3A_176 : vector<196xf32> to vector<1x196xf32>
    %eq3A_178 = vector.broadcast %broadcast_in_dim3A_177 : vector<1x196xf32> to vector<8x196xf32>
    %eq3A_179 = arith.cmpf oeq, %concatenate3A, %eq3A_178 : vector<8x196xf32>
    %and3A_180 = arith.andi %and3A_165, %eq3A_179 : vector<8x196xi1>
    %jit3A_181 = arith.constant 8 : i32
    %broadcast_in_dim3A_182 = vector.broadcast %jit3A_181 : i32 to vector<8x196xi32>
    %select_n3A_183 = arith.select %and3A_180, %iota3A_95, %broadcast_in_dim3A_182 : vector<8x196xi1>, vector<8x196xi32>
    %reduce_min3A_184 = arith.constant dense<2147483647> : vector<196xi32>
    %reduce_min3A_185 = vector.multi_reduction <minsi>, %select_n3A_183, %reduce_min3A_184 [0] : vector<8x196xi32> to vector<196xi32>
    %broadcast_in_dim3A_186 = vector.shape_cast %reduce_min3A_185 : vector<196xi32> to vector<1x196xi32>
    %eq3A_187 = vector.broadcast %broadcast_in_dim3A_186 : vector<1x196xi32> to vector<8x196xi32>
    %eq3A_188 = arith.cmpi eq, %iota3A_95, %eq3A_187 : vector<8x196xi32>
    %jit3A_189 = arith.constant 0 : i32
    %broadcast_in_dim3A_190 = vector.broadcast %jit3A_189 : i32 to vector<8x196xi32>
    %select_n3A_191 = arith.select %eq3A_188, %get3A_6, %broadcast_in_dim3A_190 : vector<8x196xi1>, vector<8x196xi32>
    %reduce_sum3A_192 = arith.constant dense<0> : vector<196xi32>
    %reduce_sum3A_193 = vector.multi_reduction <add>, %select_n3A_191, %reduce_sum3A_192 [0] : vector<8x196xi32> to vector<196xi32>
    %broadcast_in_dim3A_194 = vector.shape_cast %reduce_sum3A_193 : vector<196xi32> to vector<1x196xi32>
    %concatenate3A_195 = tpu.concatenate %broadcast_in_dim3A_119, %broadcast_in_dim3A_145, %broadcast_in_dim3A_171, %broadcast_in_dim3A_194 in 0 : vector<1x196xi32>, vector<1x196xi32>, vector<1x196xi32>, vector<1x196xi32> -> vector<4x196xi32>
    %mul3A_196 = arith.constant 200 : i32
    %mul3A_197 = arith.muli %arg0, %mul3A_196 : i32
    %add3A = vector.broadcast %mul3A_197 : i32 to vector<4x196xi32>
    %add3A_198 = arith.addi %concatenate3A_195, %add3A : vector<4x196xi32>
    %swap3A = arith.constant 0 : index
    %swap3A_199 = arith.constant 0 : index
    %swap3A_200 = arith.constant 0 : index
    %swap3A_201 = vector.load %arg6[%swap3A, %swap3A_199, %swap3A_200] : memref<1x4x196xi32, #tpu.memory_space<vmem>>, vector<1x4x196xi32>
    %swap3A_202 = vector.shape_cast %swap3A_201 : vector<1x4x196xi32> to vector<4x196xi32>
    %swap3A_203 = vector.shape_cast %add3A_198 : vector<4x196xi32> to vector<1x4x196xi32>
    tpu.vector_store %arg6[%swap3A, %swap3A_199, %swap3A_200], %swap3A_203 {strides = array<i32>} : memref<1x4x196xi32, #tpu.memory_space<vmem>>, vector<1x4x196xi32>,
    %reduce_sum3A_204 = arith.constant dense<0.000000e+00> : vector<196xf32>
    %reduce_sum3A_205 = vector.multi_reduction <add>, %get3A_3, %reduce_sum3A_204 [1] : vector<196x768xf32> to vector<196xf32>
    %broadcast_in_dim3A_206 = vector.shape_cast %reduce_sum3A_205 : vector<196xf32> to vector<196x1xf32>
    %div3A_207 = arith.constant 7.680000e+02 : f32
    %div3A_208 = vector.broadcast %div3A_207 : f32 to vector<196x1xf32>
    %div3A_209 = arith.divf %broadcast_in_dim3A_206, %div3A_208 : vector<196x1xf32>
    %mul3A_210 = arith.constant 0.00130208337 : f32
    %mul3A_211 = vector.broadcast %mul3A_210 : f32 to vector<196x1xf32>
    %mul3A_212 = arith.mulf %broadcast_in_dim3A, %mul3A_211 : vector<196x1xf32>
    %mul3A_213 = arith.mulf %div3A_209, %div3A_209 : vector<196x1xf32>
    %sub3A = arith.subf %mul3A_212, %mul3A_213 : vector<196x1xf32>
    %add3A_214 = arith.constant 9.99999997E-7 : f32
    %add3A_215 = vector.broadcast %add3A_214 : f32 to vector<196x1xf32>
    %add3A_216 = arith.addf %sub3A, %add3A_215 : vector<196x1xf32>
    %rsqrt3A = math.rsqrt %add3A_216 : vector<196x1xf32>
    %sub3A_217 = vector.broadcast %div3A_209 : vector<196x1xf32> to vector<196x768xf32>
    %sub3A_218 = arith.subf %get3A_3, %sub3A_217 : vector<196x768xf32>
    %mul3A_219 = vector.broadcast %rsqrt3A : vector<196x1xf32> to vector<196x768xf32>
    %mul3A_220 = arith.mulf %sub3A_218, %mul3A_219 : vector<196x768xf32>
    %get3A_221 = arith.constant 0 : index
    %get3A_222 = vector.load %arg3[%get3A_221] : memref<768xf32, #tpu.memory_space<vmem>>, vector<768xf32>
    %broadcast_in_dim3A_223 = vector.shape_cast %get3A_222 : vector<768xf32> to vector<1x768xf32>
    %mul3A_224 = vector.broadcast %broadcast_in_dim3A_223 : vector<1x768xf32> to vector<196x768xf32>
    %mul3A_225 = arith.mulf %mul3A_220, %mul3A_224 : vector<196x768xf32>
    %get3A_226 = arith.constant 0 : index
    %get3A_227 = vector.load %arg4[%get3A_226] : memref<768xf32, #tpu.memory_space<vmem>>, vector<768xf32>
    %broadcast_in_dim3A_228 = vector.shape_cast %get3A_227 : vector<768xf32> to vector<1x768xf32>
    %add3A_229 = vector.broadcast %broadcast_in_dim3A_228 : vector<1x768xf32> to vector<196x768xf32>
    %add3A_230 = arith.addf %mul3A_225, %add3A_229 : vector<196x768xf32>
    %broadcast_in_dim3A_231 = arith.constant 0.000000e+00 : f32
    %broadcast_in_dim3A_232 = vector.broadcast %broadcast_in_dim3A_231 : f32 to vector<4x768xf32>
    %concatenate3A_233 = tpu.concatenate %add3A_230, %broadcast_in_dim3A_232 in 0 : vector<196x768xf32>, vector<4x768xf32> -> vector<200x768xf32>
    %swap3A_234 = arith.constant 0 : index
    %swap3A_235 = arith.constant 0 : index
    %swap3A_236 = arith.constant 0 : index
    %swap3A_237 = vector.load %arg5[%swap3A_234, %swap3A_235, %swap3A_236] : memref<1x200x768xf32, #tpu.memory_space<vmem>>, vector<1x200x768xf32>
    %swap3A_238 = vector.shape_cast %swap3A_237 : vector<1x200x768xf32> to vector<200x768xf32>
    %swap3A_239 = vector.shape_cast %concatenate3A_233 : vector<200x768xf32> to vector<1x200x768xf32>
    tpu.vector_store %arg5[%swap3A_234, %swap3A_235, %swap3A_236], %swap3A_239 {strides = array<i32>} : memref<1x200x768xf32, #tpu.memory_space<vmem>>, vector<1x200x768xf32>,
    return
  }
  func.func @transform_0(%arg0: i32) -> (i32, i32, i32) {
    %c0_i32 = arith.constant 0 : i32
    %c0_i32_0 = arith.constant 0 : i32
    %c0_i32_1 = arith.constant 0 : i32
    return %arg0, %c0_i32, %c0_i32_0 : i32, i32, i32
  }
  func.func @transform_1(%arg0: i32) -> (i32, i32) {
    %c0_i32 = arith.constant 0 : i32
    %c0_i32_0 = arith.constant 0 : i32
    %c0_i32_1 = arith.constant 0 : i32
    return %c0_i32, %c0_i32_0 : i32, i32
  }
  func.func @transform_2(%arg0: i32) -> i32 {
    %c0_i32 = arith.constant 0 : i32
    %c0_i32_0 = arith.constant 0 : i32
    return %c0_i32 : i32
  }
  func.func @transform_3(%arg0: i32) -> i32 {
    %c0_i32 = arith.constant 0 : i32
    %c0_i32_0 = arith.constant 0 : i32
    return %c0_i32 : i32
  }
  func.func @transform_4(%arg0: i32) -> (i32, i32, i32) {
    %c0_i32 = arith.constant 0 : i32
    %c0_i32_0 = arith.constant 0 : i32
    %c0_i32_1 = arith.constant 0 : i32
    return %arg0, %c0_i32, %c0_i32_0 : i32, i32, i32
  }
  func.func @transform_5(%arg0: i32) -> (i32, i32, i32) {
    %c0_i32 = arith.constant 0 : i32
    %c0_i32_0 = arith.constant 0 : i32
    %c0_i32_1 = arith.constant 0 : i32
    return %arg0, %c0_i32, %c0_i32_0 : i32, i32, i32
  }
}

</mosaic_0001>

<sc_bundles>
// kernel: kernel.4.cloned.1.call-start
scs
__scs_entry_jumppad:
0x0: {  	(pc) =	sbr.rel $0x88, $3  }
0x1: {  	(tag) =	ssettag $0x0;
	lr =	simm.s32 $0x1  }
0x2: {  	[smem:$0x3F9D] =	sst lr;
	_ =	strace $0xD0000000  }
0x3: {  	_ = 	snop  }
0x4: {  	_ = 	snop  }
0x5: {  	_ = 	snop  }
0x6: {  	_ = 	snop  }
0x7: {  	_ = 	snop  }
__scs_overlays_trampoline_lowered:
0x8: {  	[smem:$0x3FAC] =	sst s0  }
0x9: {  	[smem:$0x3FAD] =	sst s1  }
0xa: {  	[smem:$0x3FAE] =	sst s2  }
0xb: {  	[smem:$0x3FAF] =	sst s3  }
0xc: {  	[smem:$0x3FB0] =	sst s4  }
0xd: {  	[smem:$0x3FB1] =	sst s5  }
0xe: {  	[smem:$0x3FB2] =	sst s6  }
0xf: {  	[smem:$0x3FB3] =	sst s7  }
0x10: {  	[smem:$0x3FB4] =	sst s8  }
0x11: {  	[smem:$0x3FB5] =	sst s9;
	s0 =	simm.s32 @!p0 $0x0  }
0x12: {  	s1 =	sld [smem:$0x3F9B];
	s0 =	simm.s32 @p0 $0x1  }
0x13: {  	[smem:$0x3FB6] =	sst s0;
	s0 =	simm.s32 @!p1 $0x0  }
0x14: {  	s2 =	sld [smem:$0x3F9A];
	s0 =	simm.s32 @p1 $0x1  }
0x15: {  	[smem:$0x3FB7] =	sst s0;
	s0 =	simm.s32 @!p2 $0x0  }
0x16: {  	s3 =	sld [smem:$0x3FDB];
	s0 =	simm.s32 @p2 $0x1  }
0x17: {  	s4 =	simm.s32 $0x1BF5;
	[smem:$0x3FB9] =	sst s0  }
0x18: {  	s0 =	sld [smem:$0x3F9C];
	_ =	swait.ge [sflag:s4], $0x0  }
0x19: {  	s7 =	sld [smem:$0x3F9D]  }
0x1a: {  	s8 =	sadd.s32 $0xFFFFE003, lr  }
0x1b: {  	s9 =	sadd.s32 $0xFFFFFEF7, lr;
	s5 =	simm.s32 $0xFFFFFFFF;
	p2 =	slt.u32 s8, $0xFFFFF086  }
0x1c: {  	p1 =	slt.u32 s9, $0xF7A;
	s5 =	simm.s32 @!p2 $0x0  }
0x1d: {  	s5 =	simm.s32 @p1 $0x1;
	p0 =	seq.s32 s7, s2  }
0x1e: {  	s7 =	smul.u32 @!p0 $0xF7A, s2;
	p2 =	seq.s32 @!p0 s5, $0x0  }
0x1f: {  	s9 =	smul.u32 $0xF7A, s1;
	s8 =	simm.s32 @!p0 $0x1BF5;
	p2 =	por !p2, p0  }
0x20: {  	[sflag:s8] =	ssyncset.s32 @!p0 $0xFFFFF086;
	s6 =	sadd.s32 @!p0 s3, s7;
	s7 =	simm.s32 @!p0 $0x108  }
0x21: {  	s3 =	sadd.s32 s3, s9;
	s6 =	sadd.s32 @!p0 $0x88, s6;
	s7 =	simm.s32 @p2 $0x1082  }
0x22: {  	[simem:s7], [sflag:s8] =	dma.local @!p0 [hbm:s6], $0xF7A  }
0x23: {  	s9 =	sor.u32 $0xD0000000, s2;
	s6 =	simm.s32 $0x108;
	_ =	swait.ge @!p0 [sflag:s8], $0x0  }
0x24: {  	s3 =	sadd.s32 $0x88, s3;
	s6 =	simm.s32 @!p1 $0x1082;
	[sflag:s4] =	ssyncset.s32 $0xFFFFF086  }
0x25: {  	[simem:s6], [sflag:s4] =	dma.local [hbm:s3], $0xF7A  }
0x26: {  	[smem:$0x3F9D] =	sst s1;
	(tag) =	ssettag s2;
	_ =	strace s9  }
0x27: {  	s1 =	sld [smem:$0x3FAD]  }
0x28: {  	s2 =	sld [smem:$0x3FAE]  }
0x29: {  	s4 =	sld [smem:$0x3FB0]  }
0x2a: {  	p0 =	seq.s32 s5, $0x0;
	s5 =	sld [smem:$0x3FB1]  }
0x2b: {  	s6 =	sld [smem:$0x3FB2]  }
0x2c: {  	s7 =	sld [smem:$0x3FB3]  }
0x2d: {  	s3 =	simm.s32 $0x108;
	s8 =	sld [smem:$0x3FB4]  }
0x2e: {  	s3 =	simm.s32 @!p0 $0x1082;
	s9 =	sld [smem:$0x3FB5]  }
0x2f: {  	lr =	sadd.s32 s0, s3;
	s0 =	sld [smem:$0x3FAC]  }
0x30: {  	s3 =	sld [smem:$0x3FAF]  }
0x31: {  	[smem:$0x3FB8] =	sst s10  }
0x32: {  	s10 =	sld [smem:$0x3FB6];
	_ =	sdelay $0x3  }
0x33: {  	p0 =	seq.s32 s10, $0x1;
	s10 =	sld [smem:$0x3FB8];
	_ =	sdelay $0x3  }
0x34: {  	[smem:$0x3FB8] =	sst s10  }
0x35: {  	s10 =	sld [smem:$0x3FB7];
	_ =	sdelay $0x3  }
0x36: {  	p1 =	seq.s32 s10, $0x1;
	s10 =	sld [smem:$0x3FB8];
	_ =	sdelay $0x3  }
0x37: {  	[smem:$0x3FB8] =	sst s10  }
0x38: {  	s10 =	sld [smem:$0x3FB9]  }
0x39: {  	_ = 	snop;
	(pc) =	sbr.ind lr, $3  }
0x3a: {  	_ = 	snop  }
0x3b: {  	_ = 	snop  }
0x3c: {  	p2 =	seq.s32 s10, $0x1;
	s10 =	sld [smem:$0x3FB8]  }
0x3d: {  	_ =	shalt  }
0x3e: {  	_ =	shalt  }
0x3f: {  	_ =	shalt  }
0x40: {  	_ =	shalt  }
0x41: {  	_ =	shalt  }
0x42: {  	_ =	shalt  }
0x43: {  	_ =	shalt  }
0x44: {  	_ =	shalt  }
0x45: {  	_ =	shalt  }
0x46: {  	_ =	shalt  }
0x47: {  	_ =	shalt  }
0x48: {  	_ =	shalt  }
0x49: {  	_ =	shalt  }
0x4a: {  	_ =	shalt  }
0x4b: {  	_ =	shalt  }
0x4c: {  	_ =	shalt  }
0x4d: {  	_ =	shalt  }
0x4e: {  	_ =	shalt  }
0x4f: {  	_ =	shalt  }
0x50: {  	_ =	shalt  }
0x51: {  	_ =	shalt  }
0x52: {  	_ =	shalt  }
0x53: {  	_ =	shalt  }
0x54: {  	_ =	shalt  }
0x55: {  	_ =	shalt  }
0x56: {  	_ =	shalt  }
0x57: {  	_ =	shalt  }
0x58: {  	_ =	shalt  }
0x59: {  	_ =	shalt  }
0x5a: {  	_ =	shalt  }
0x5b: {  	_ =	shalt  }
0x5c: {  	_ =	shalt  }
0x5d: {  	_ =	shalt  }
0x5e: {  	_ =	shalt  }
0x5f: {  	_ =	shalt  }
0x60: {  	_ =	shalt  }
0x61: {  	_ =	shalt  }
0x62: {  	_ =	shalt  }
0x63: {  	_ =	shalt  }
0x64: {  	_ =	shalt  }
0x65: {  	_ =	shalt  }
0x66: {  	_ =	shalt  }
0x67: {  	_ =	shalt  }
0x68: {  	_ =	shalt  }
0x69: {  	_ =	shalt  }
0x6a: {  	_ =	shalt  }
0x6b: {  	_ =	shalt  }
0x6c: {  	_ =	shalt  }
0x6d: {  	_ =	shalt  }
0x6e: {  	_ =	shalt  }
0x6f: {  	_ =	shalt  }
0x70: {  	_ =	shalt  }
0x71: {  	_ =	shalt  }
0x72: {  	_ =	shalt  }
0x73: {  	_ =	shalt  }
0x74: {  	_ =	shalt  }
0x75: {  	_ =	shalt  }
0x76: {  	_ =	shalt  }
0x77: {  	_ =	shalt  }
0x78: {  	_ =	shalt  }
0x79: {  	_ =	shalt  }
0x7a: {  	_ =	shalt  }
0x7b: {  	_ =	shalt  }
0x7c: {  	_ =	shalt  }
0x7d: {  	_ =	shalt  }
0x7e: {  	_ =	shalt  }
0x7f: {  	_ =	shalt  }
0x80: {  	_ =	shalt  }
0x81: {  	_ =	shalt  }
0x82: {  	_ =	shalt  }
0x83: {  	_ =	shalt  }
0x84: {  	_ =	shalt  }
0x85: {  	_ =	shalt  }
0x86: {  	_ =	shalt  }
0x87: {  	_ =	shalt  }
.Lfunc_end0:
.L_simem_size_0:
called_computation_lowered:
.L_overlay_start_0:
0x88: {  	s2 =	sld [smem:$0x3FD9]  }
0x89: {  	s3 =	sld [smem:$0x3FFE];
	_ =	sdelay $0x1  }
0x8a: {  	s1 =	srdreg.scid  }
0x8b: {  	s0 =	sand.u32 $0x1, s1  }
0x8c: {  	s17 =	sshll.u32 s0, $0xA;
	s2 =	sadd.s32 s3, s2  }
0x8d: {  	s2 =	sadd.s32 s2, s17  }
0x8e: {  	[smem:$0x3FC4] =	sst s2  }
0x8f: {  	_ = 	snop  }
0x90: {  	s2 =	sld [smem:$0x3FD0];
	(tm) =	ssettm $0x1  }
0x91: {  	s18 =	sld [smem:$0x3FFB];
	_ =	sdelay $0x3  }
0x92: {  	_ =	strace s18  }
0x93: {  	s3 =	sld [smem:$0x3FFC];
	_ =	sdelay $0x3  }
0x94: {  	_ =	strace s3  }
0x95: {  	s3 =	sld [smem:$0x3FFD];
	_ =	sdelay $0x3  }
0x96: {  	_ =	strace s3  }
0x97: {  	_ =	strace $0x8FFFFFFF  }
0x98: {  	s19 =	sld [smem:$0x3FDB];
	_ =	sdelay $0x1  }
0x99: {  	s4 =	simm.s32 $_scs_section_size  }
0x9a: {  	s5 =	simm.s32 $_size__tile_overlayer_lowered;
	s6 =	simm.s32 $_tile_overlayer_lowered  }
0x9b: {  	s22 =	simm.s32 $0x1BFF;
	s21 =	sshll.u32 s6, $0x1;
	s3 =	sadd.s32 s4, s19  }
0x9c: {  	s7 =	simm.s32 $0x0;
	s20 =	sshll.u32 s5, $0x1;
	s5 =	sadd.s32 s21, s3  }
0x9d: {  	[timem:s7], [sflag:s22] =	dma.local [hbm:s5], s20  }
0x9e: {  	_ =	swait.ge [sflag:s22], s20  }
0x9f: {  	s4 =	ssub.s32 $0x0, s20;
	[sflag:s22] =	ssyncset.done $0x0  }
0xa0: {  	[sflag:s22] =	ssyncadd.s32 s4;
	_ =	sdelay $0x1  }
0xa1: {  	s23 =	simm.s32 $0x1B8B  }
0xa2: {  	_ =	swait.ge [sflag:s23], $0x1  }
0xa3: {  	[sflag:s23] =	ssyncset.done $0x0  }
0xa4: {  	s25 =	simm.s32 $0x1B8E;
	s24 =	sld [smem:$0x3FFE];
	[sflag:s23] =	ssyncadd.s32 $0xFFFFFFFF  }
0xa5: {  	s26 =	simm.s32 $execute0_lowered;
	[smem:$0x3FD2] =	sst s25  }
0xa6: {  	s5 =	sshll.u32 s26, $0x1;
	_ =	strace $0x80000046;
	[dreg:$0x1] =	wrdreg $0xFFFFFFFF  }
0xa7: {  	s28 =	simm.s32 $_size_execute0_lowered;
	s3 =	sadd.s32 s3, s5;
	[dreg:$0x0] =	wrdreg $0x0  }
0xa8: {  	s5 =	sshll.u32 s28, $0x1;
	[dreg:$0x2] =	wrdreg s3  }
0xa9: {  	[dreg:$0x3] =	wrdreg s5  }
0xaa: {  	[dreg:$0x4] =	wrdreg $0xC0  }
0xab: {  	_ =	task [dreg:s7], $0x5FFFF  }
0xac: {  	[dreg:$0x1] =	wrdreg $0xFFFFFFFF  }
0xad: {  	[dreg:$0x0] =	wrdreg $0x60  }
0xae: {  	[dreg:$0x2] =	wrdreg s24  }
0xaf: {  	[dreg:$0x3] =	wrdreg s2  }
0xb0: {  	[dreg:$0x4] =	wrdreg $0x9  }
0xb1: {  	_ =	task.clear_ibuf [dreg:s7], $0x5FFFF;
	_ =	strace $0x90000046  }
0xb2: {  	s29 =	simm.s32 $0x9;
	_ =	strace $0x80000048  }
0xb3: {  	_ =	swait.ge [sflag:s29], $0x1  }
0xb4: {  	[sflag:s29] =	ssyncadd.s32 $0xFFFFFFFF  }
0xb5: {  	_ =	strace $0x90000048  }
0xb6: {  	_ =	sfence  }
0xb7: {  	s30 =	sld [smem:$0x0];
	_ =	sdelay $0x2  }
0xb8: {  	s31 =	sshll.u32 s1, $0xD;
	s1 =	sshrl.u32 s1, $0x2  }
0xb9: {  	s3 =	sand.u32 $0x4000, s31;
	s1 =	sadd.s32 s1, s30  }
0xba: {  	s0 =	sor.u32 s3, s0;
	s1 =	sshll.u32 s1, $0x11  }
0xbb: {  	s0 =	sor.u32 s1, s0  }
0xbc: {  	s0 =	sadd.s32 $0x8F2B, s0  }
0xbd: {  	[sflag:s0] =	ssyncadd.remote.s32 $0x1  }
0xbe: {  	_ =	sfence.sel $0xFFFF  }
0xbf: {  	[dreg:$0x0] =	wrdreg $0xFFFFFFFF;
	(pc) =	sbr.abs _section_cstart, $3  }
0xc0: {  	[dreg:$0x1] =	wrdreg $0xFFFFFFFF  }
0xc1: {  	_ =	task.clear_ibuf [dreg:s7], $0x2FFFF;
	_ =	strace $0x9FFFFFFF  }
0xc2: {  	(tm) =	ssettm $0x7FFFFFFF  }
0xc3: {  	_ =	shalt  }
tec
execute0_lowered:
.L_overlay_start_1:
0x0: {  	(tag) =	ssettag $0x1  }
0x1: {  	s0 =	srdreg.scid;
	s8 =	stileid.u32  }
0x2: {  	s1 =	sand.u32 $0x1, s0;
	s2 =	smul.u32 $0xC40, s8  }
0x3: {  	s3 =	smul.u32 $0x620, s1;
	_ =	sdelay $0x1  }
0x4: {  	s3 =	sadd.s32 s3, s2  }
0x5: {  	s4 =	rddreg [dreg:$0x1];
	s2 =	sadd.s32 $0x38, s3  }
0x6: {  	s0 =	rddreg [dreg:$0x0];
	s5 =	sshrl.u32 s2, $0x3;
	s2 =	simm.s32 $0x0  }
0x7: {  	s21 =	simm.s32 $0x1800;
	[smem:$0x7FF] =	sst s2  }
0x8: {  	s22 =	simm.s32 $0x2000;
	_ =	strace $0x80000047;
	[dreg:$0x5] =	wrdreg s21  }
0x9: {  	s23 =	simm.s32 $0x2800;
	[dreg:$0x6] =	wrdreg s22  }
0xa: {  	s24 =	simm.s32 $0x3000;
	s25 =	simm.s32 $0x3800;
	[dreg:$0x7] =	wrdreg s23  }
0xb: {  	s26 =	simm.s32 $0x4000;
	s7 =	simm.s32 $0x5800;
	[dreg:$0x8] =	wrdreg s24  }
0xc: {  	s9 =	simm.s32 $0x6000;
	s10 =	simm.s32 $0x6800;
	[dreg:$0x9] =	wrdreg s25  }
0xd: {  	s11 =	simm.s32 $0x7000;
	s12 =	simm.s32 $0x7800;
	[dreg:$0xa] =	wrdreg s26  }
0xe: {  	s14 =	simm.s32 $0x8000;
	s15 =	simm.s32 $0x8800;
	[dreg:$0xd] =	wrdreg s7  }
0xf: {  	s16 =	simm.s32 $0x9000;
	s18 =	simm.s32 $0x9800;
	[dreg:$0xe] =	wrdreg s9  }
0x10: {  	s19 =	simm.s32 $0xA000;
	s20 =	simm.s32 $0xA800;
	[dreg:$0xf] =	wrdreg s10  }
0x11: {  	s28 =	simm.s32 $0x1;
	s29 =	simm.s32 $0x2;
	[dreg:$0x10] =	wrdreg s11  }
0x12: {  	s30 =	simm.s32 $0x3;
	s31 =	simm.s32 $0x4;
	[dreg:$0x11] =	wrdreg s12  }
0x13: {  	s17 =	sshll.u32 s8, $0xA;
	s6 =	sadd.s32 $0x12CC00, s0;
	[dreg:$0x12] =	wrdreg s14  }
0x14: {  	s13 =	ssub.s32 $0x2, s1;
	s1 =	sshll.u32 s1, $0x9;
	[dreg:$0x13] =	wrdreg s15  }
0x15: {  	s1 =	sor.u32 s1, s17;
	s3 =	sshrl.u32 s3, $0x3;
	[dreg:$0x14] =	wrdreg s16  }
0x16: {  	s17 =	simm.s32 $0x11000;
	s3 =	smul.u32 $0x300, s3;
	[dreg:$0x15] =	wrdreg s18  }
0x17: {  	s1 =	sadd.s32 s4, s1;
	s5 =	smul.u32 $0x300, s5;
	[dreg:$0x16] =	wrdreg s19  }
0x18: {  	s3 =	sadd.s32 s3, s6;
	s7 =	sshrl.u32 s13, $0x1;
	[dreg:$0x1d] =	wrdreg s1  }
0x19: {  	[dreg:$0x17] =	wrdreg s20;
	s21 =	simm.s32 $0xB000;
	s22 =	simm.s32 $0xC000  }
0x1a: {  	s23 =	simm.s32 $0xC800;
	s25 =	simm.s32 $0xD000;
	s26 =	simm.s32 $0xD800  }
0x1b: {  	s9 =	simm.s32 $0x1000;
	s10 =	simm.s32 $0xB800;
	s11 =	simm.s32 $0xE000  }
0x1c: {  	s12 =	simm.s32 $0xE800;
	s14 =	simm.s32 $0xF800;
	[dreg:$0x4] =	wrdreg s3  }
0x1d: {  	s15 =	simm.s32 $0x10000;
	s16 =	simm.s32 $0x10800;
	[dreg:$0x18] =	wrdreg s21  }
0x1e: {  	s18 =	simm.s32 $0x11800;
	s19 =	simm.s32 $0x12000;
	[dreg:$0x19] =	wrdreg s22  }
0x1f: {  	s20 =	simm.s32 $0x12800;
	s1 =	simm.s32 $0x0;
	[dreg:$0x1a] =	wrdreg s23  }
0x20: {  	s5 =	sadd.s32 s5, s6;
	s6 =	simm.s32 $0x5000;
	[dreg:$0x1b] =	wrdreg s25  }
0x21: {  	s3 =	sadd.s32 $0xC00, s0;
	s7 =	ssub.s32 s13, s7;
	[dreg:$0x1c] =	wrdreg s26  }
0x22: {  	s13 =	simm.s32 $0xF000;
	s21 =	simm.s32 $0x13000;
	s22 =	simm.s32 $0x13800  }
0x23: {  	s23 =	simm.s32 $0x14000;
	s25 =	simm.s32 $0x15000;
	[dreg:$0x3] =	wrdreg s5  }
0x24: {  	v2 =	vlaneseq.u32;
	s26 =	simm.s32 $0x15800;
	s5 =	simm.s32 $0x4800;
	[dreg:$0xc] =	wrdreg s6  }
0x25: {  	vm0 =	vmmov $0xffff;
	v1 =	vshrl.u32 v2, $0x3;
	s6 =	sadd.s32 $0xE00, s0;
	s24 =	smax.u32 s7, $0x1;
	[dreg:$0xb] =	wrdreg s5  }
0x26: {  	v0 =	vand.u32 $0x7, v2;
	v2 =	vor.u32 $0x8, v2;
	v1 =	vmul.u32 $0x8, v1;
	s5 =	sadd.s32 $0xD00, s0;
	[dreg:$0x1e] =	wrdreg s24;
	s24 =	simm.s32 $0x14800  }
.LBB2_1:
0x27: {  	s0 =	rddreg [dreg:$0x1d];
	s8 =	simm.s32 $0x5  }
0x28: {  	[tilespmem:s2], [sflag:$0x5] =	stream.linear.gather [hbm4b:s0+s2], $0xE00, $0x38;
	[tilespmem:$0x16000] =	vst v63  }
0x29: {  	_ =	swait.ge [sflag:s8], $0xE00  }
0x2a: {  	[sflag:s8] =	ssyncset.done $0x0  }
0x2b: {  	s4 =	simm.s32 $0x0;
	s0 =	simm.s32 $0x80;
	[sflag:s8] =	ssyncadd.s32 $0xFFFFF200  }
.LBB2_2:
0x2c: {  	p0 =	seq.s32 s4, $0x0  }
0x2d: {  	s7 =	simm.s32 @!p0 $0x3  }
0x2e: {  	_ =	swait.ge @!p0 [sflag:s7], $0xA800  }
0x2f: {  	[sflag:s7] =	ssyncset.done @!p0 $0x0  }
0x30: {  	[sflag:s7] =	ssyncadd.s32 @!p0 $0xFFFF5800  }
0x31: {  	v3 =	vld [tilespmem:s0+$0xFFFFFF80];
	_ =	sdelay $0x4  }
0x32: {  	v4 =	vshrl.u32 v3, $0x3  }
0x33: {  	v4 =	vmul.u32 $0x30, v4  }
0x34: {  	v3 =	vand.u32 $0x7, v3  }
0x35: {  	v3 =	vor.u32 v3, v4  }
0x36: {  	v4 =	vperm.xlane v3, v0;
	_ =	sdelay $0x1  }
0x37: {  	v4 =	vadd.s32 v1, v4;
	_ =	sdelay $0x3  }
0x38: {  	v3 =	vperm.xlane v3, v2  }
0x39: {  	[tilespmem:s9], [sflag:$0x1] =	stream.indirect_vreg.gather [hbm4b:s3+s2], $0x80, v4, vm0, $0xb8;
	[tilespmem:$0x16000] =	vst v63  }
0x3a: {  	s7 =	rddreg [dreg:$0x5];
	v3 =	vadd.s32 v1, v3  }
0x3b: {  	[tilespmem:s7], [sflag:$0x1] =	stream.indirect_vreg.gather [hbm4b:s5+s2], $0x80, v4, vm0, $0xb8;
	[tilespmem:$0x16000] =	vst v63  }
0x3c: {  	s8 =	rddreg [dreg:$0x6]  }
0x3d: {  	[tilespmem:s8], [sflag:$0x1] =	stream.indirect_vreg.gather [hbm4b:s6+s2], $0x80, v4, vm0, $0xb8;
	[tilespmem:$0x16000] =	vst v63  }
0x3e: {  	s7 =	rddreg [dreg:$0x7]  }
0x3f: {  	[tilespmem:s7], [sflag:$0x1] =	stream.indirect_vreg.gather [hbm4b:s3+s2], $0x80, v3, vm0, $0xb8;
	[tilespmem:$0x16000] =	vst v63  }
0x40: {  	s8 =	rddreg [dreg:$0x8]  }
0x41: {  	[tilespmem:s8], [sflag:$0x1] =	stream.indirect_vreg.gather [hbm4b:s5+s2], $0x80, v3, vm0, $0xb8;
	[tilespmem:$0x16000] =	vst v63  }
0x42: {  	s7 =	rddreg [dreg:$0x9]  }
0x43: {  	[tilespmem:s7], [sflag:$0x1] =	stream.indirect_vreg.gather [hbm4b:s6+s2], $0x80, v3, vm0, $0xb8;
	[tilespmem:$0x16000] =	vst v63  }
0x44: {  	v3 =	vld [tilespmem:s0+$0xFFFFFF90];
	_ =	sdelay $0x4  }
0x45: {  	v57 =	vshrl.u32 v3, $0x3  }
0x46: {  	v4 =	vmul.u32 $0x30, v57  }
0x47: {  	v3 =	vand.u32 $0x7, v3  }
0x48: {  	v3 =	vor.u32 v3, v4  }
0x49: {  	v4 =	vperm.xlane v3, v0;
	_ =	sdelay $0x1  }
0x4a: {  	v4 =	vadd.s32 v1, v4;
	_ =	sdelay $0x3  }
0x4b: {  	s7 =	rddreg [dreg:$0xa];
	v3 =	vperm.xlane v3, v2  }
0x4c: {  	[tilespmem:s7], [sflag:$0x1] =	stream.indirect_vreg.gather [hbm4b:s3+s2], $0x80, v4, vm0, $0xb8;
	[tilespmem:$0x16000] =	vst v63  }
0x4d: {  	s8 =	rddreg [dreg:$0xb];
	v3 =	vadd.s32 v1, v3  }
0x4e: {  	[tilespmem:s8], [sflag:$0x1] =	stream.indirect_vreg.gather [hbm4b:s5+s2], $0x80, v4, vm0, $0xb8;
	[tilespmem:$0x16000] =	vst v63  }
0x4f: {  	s7 =	rddreg [dreg:$0xc]  }
0x50: {  	[tilespmem:s7], [sflag:$0x1] =	stream.indirect_vreg.gather [hbm4b:s6+s2], $0x80, v4, vm0, $0xb8;
	[tilespmem:$0x16000] =	vst v63  }
0x51: {  	s8 =	rddreg [dreg:$0xd]  }
0x52: {  	[tilespmem:s8], [sflag:$0x1] =	stream.indirect_vreg.gather [hbm4b:s3+s2], $0x80, v3, vm0, $0xb8;
	[tilespmem:$0x16000] =	vst v63  }
0x53: {  	s7 =	rddreg [dreg:$0xe]  }
0x54: {  	[tilespmem:s7], [sflag:$0x1] =	stream.indirect_vreg.gather [hbm4b:s5+s2], $0x80, v3, vm0, $0xb8;
	[tilespmem:$0x16000] =	vst v63  }
0x55: {  	s8 =	rddreg [dreg:$0xf]  }
0x56: {  	[tilespmem:s8], [sflag:$0x1] =	stream.indirect_vreg.gather [hbm4b:s6+s2], $0x80, v3, vm0, $0xb8;
	[tilespmem:$0x16000] =	vst v63  }
0x57: {  	v3 =	vld [tilespmem:s0+$0xFFFFFFA0];
	_ =	sdelay $0x4  }
0x58: {  	v58 =	vshrl.u32 v3, $0x3  }
0x59: {  	v4 =	vmul.u32 $0x30, v58  }
0x5a: {  	v3 =	vand.u32 $0x7, v3  }
0x5b: {  	v3 =	vor.u32 v3, v4  }
0x5c: {  	v4 =	vperm.xlane v3, v0;
	_ =	sdelay $0x1  }
0x5d: {  	v4 =	vadd.s32 v1, v4;
	_ =	sdelay $0x3  }
0x5e: {  	s7 =	rddreg [dreg:$0x10];
	v3 =	vperm.xlane v3, v2  }
0x5f: {  	[tilespmem:s7], [sflag:$0x1] =	stream.indirect_vreg.gather [hbm4b:s3+s2], $0x80, v4, vm0, $0xb8;
	[tilespmem:$0x16000] =	vst v63  }
0x60: {  	s8 =	rddreg [dreg:$0x11];
	v3 =	vadd.s32 v1, v3  }
0x61: {  	[tilespmem:s8], [sflag:$0x1] =	stream.indirect_vreg.gather [hbm4b:s5+s2], $0x80, v4, vm0, $0xb8;
	[tilespmem:$0x16000] =	vst v63  }
0x62: {  	s7 =	rddreg [dreg:$0x12]  }
0x63: {  	[tilespmem:s7], [sflag:$0x1] =	stream.indirect_vreg.gather [hbm4b:s6+s2], $0x80, v4, vm0, $0xb8;
	[tilespmem:$0x16000] =	vst v63  }
0x64: {  	s8 =	rddreg [dreg:$0x13]  }
0x65: {  	[tilespmem:s8], [sflag:$0x1] =	stream.indirect_vreg.gather [hbm4b:s3+s2], $0x80, v3, vm0, $0xb8;
	[tilespmem:$0x16000] =	vst v63  }
0x66: {  	s7 =	rddreg [dreg:$0x14]  }
0x67: {  	[tilespmem:s7], [sflag:$0x1] =	stream.indirect_vreg.gather [hbm4b:s5+s2], $0x80, v3, vm0, $0xb8;
	[tilespmem:$0x16000] =	vst v63  }
0x68: {  	s8 =	rddreg [dreg:$0x15]  }
0x69: {  	[tilespmem:s8], [sflag:$0x1] =	stream.indirect_vreg.gather [hbm4b:s6+s2], $0x80, v3, vm0, $0xb8;
	[tilespmem:$0x16000] =	vst v63  }
0x6a: {  	v3 =	vld.msk [tilespmem:s0+$0xFFFFFFB0], $0xff;
	_ =	sdelay $0x4  }
0x6b: {  	v59 =	vshrl.u32 v3, $0x3  }
0x6c: {  	v4 =	vmul.u32 $0x30, v59  }
0x6d: {  	v3 =	vand.u32 $0x7, v3  }
0x6e: {  	v3 =	vor.u32 v3, v4  }
0x6f: {  	v3 =	vperm.xlane v3, v0;
	_ =	sdelay $0x1  }
0x70: {  	v3 =	vadd.s32 v1, v3;
	_ =	sdelay $0x3  }
0x71: {  	s7 =	rddreg [dreg:$0x16]  }
0x72: {  	[tilespmem:s7], [sflag:$0x1] =	stream.indirect_vreg.gather [hbm4b:s3+s2], $0x80, v3, vm0, $0xb8;
	[tilespmem:$0x16000] =	vst v63  }
0x73: {  	s8 =	rddreg [dreg:$0x17]  }
0x74: {  	[tilespmem:s8], [sflag:$0x1] =	stream.indirect_vreg.gather [hbm4b:s5+s2], $0x80, v3, vm0, $0xb8;
	[tilespmem:$0x16000] =	vst v63  }
0x75: {  	s7 =	rddreg [dreg:$0x18]  }
0x76: {  	[tilespmem:s7], [sflag:$0x1] =	stream.indirect_vreg.gather [hbm4b:s6+s2], $0x80, v3, vm0, $0xb8;
	[tilespmem:$0x16000] =	vst v63  }
0x77: {  	s7 =	simm.s32 @!p0 $0x4  }
0x78: {  	_ =	swait.ge @!p0 [sflag:s7], $0xA800  }
0x79: {  	[sflag:s7] =	ssyncset.done @!p0 $0x0  }
0x7a: {  	[sflag:s7] =	ssyncadd.s32 @!p0 $0xFFFF5800  }
0x7b: {  	v3 =	vld [tilespmem:s0+$0x0];
	_ =	sdelay $0x4  }
0x7c: {  	v60 =	vshrl.u32 v3, $0x3  }
0x7d: {  	v4 =	vmul.u32 $0x30, v60  }
0x7e: {  	v3 =	vand.u32 $0x7, v3  }
0x7f: {  	v3 =	vor.u32 v3, v4  }
0x80: {  	v4 =	vperm.xlane v3, v0;
	_ =	sdelay $0x1  }
0x81: {  	v4 =	vadd.s32 v1, v4;
	_ =	sdelay $0x3  }
0x82: {  	v3 =	vperm.xlane v3, v2  }
0x83: {  	[tilespmem:s10], [sflag:$0x2] =	stream.indirect_vreg.gather [hbm4b:s3+s2], $0x80, v4, vm0, $0xb8;
	[tilespmem:$0x16000] =	vst v63  }
0x84: {  	s7 =	rddreg [dreg:$0x19];
	v3 =	vadd.s32 v1, v3  }
0x85: {  	[tilespmem:s7], [sflag:$0x2] =	stream.indirect_vreg.gather [hbm4b:s5+s2], $0x80, v4, vm0, $0xb8;
	[tilespmem:$0x16000] =	vst v63  }
0x86: {  	s8 =	rddreg [dreg:$0x1a]  }
0x87: {  	[tilespmem:s8], [sflag:$0x2] =	stream.indirect_vreg.gather [hbm4b:s6+s2], $0x80, v4, vm0, $0xb8;
	[tilespmem:$0x16000] =	vst v63  }
0x88: {  	s7 =	rddreg [dreg:$0x1b]  }
0x89: {  	[tilespmem:s7], [sflag:$0x2] =	stream.indirect_vreg.gather [hbm4b:s3+s2], $0x80, v3, vm0, $0xb8;
	[tilespmem:$0x16000] =	vst v63  }
0x8a: {  	s8 =	rddreg [dreg:$0x1c]  }
0x8b: {  	[tilespmem:s8], [sflag:$0x2] =	stream.indirect_vreg.gather [hbm4b:s5+s2], $0x80, v3, vm0, $0xb8;
	[tilespmem:$0x16000] =	vst v63  }
0x8c: {  	_ = 	snop  }
0x8d: {  	[tilespmem:s11], [sflag:$0x2] =	stream.indirect_vreg.gather [hbm4b:s6+s2], $0x80, v3, vm0, $0xb8;
	[tilespmem:$0x16000] =	vst v63  }
0x8e: {  	v3 =	vld [tilespmem:s0+$0x10];
	_ =	sdelay $0x4  }
0x8f: {  	v61 =	vshrl.u32 v3, $0x3  }
0x90: {  	v4 =	vmul.u32 $0x30, v61  }
0x91: {  	v3 =	vand.u32 $0x7, v3  }
0x92: {  	v3 =	vor.u32 v3, v4  }
0x93: {  	v4 =	vperm.xlane v3, v0;
	_ =	sdelay $0x1  }
0x94: {  	v4 =	vadd.s32 v1, v4;
	_ =	sdelay $0x3  }
0x95: {  	v3 =	vperm.xlane v3, v2  }
0x96: {  	[tilespmem:s12], [sflag:$0x2] =	stream.indirect_vreg.gather [hbm4b:s3+s2], $0x80, v4, vm0, $0xb8;
	[tilespmem:$0x16000] =	vst v63  }
0x97: {  	v3 =	vadd.s32 v1, v3  }
0x98: {  	[tilespmem:s13], [sflag:$0x2] =	stream.indirect_vreg.gather [hbm4b:s5+s2], $0x80, v4, vm0, $0xb8;
	[tilespmem:$0x16000] =	vst v63  }
0x99: {  	_ = 	snop  }
0x9a: {  	[tilespmem:s14], [sflag:$0x2] =	stream.indirect_vreg.gather [hbm4b:s6+s2], $0x80, v4, vm0, $0xb8;
	[tilespmem:$0x16000] =	vst v63  }
0x9b: {  	_ = 	snop  }
0x9c: {  	[tilespmem:s15], [sflag:$0x2] =	stream.indirect_vreg.gather [hbm4b:s3+s2], $0x80, v3, vm0, $0xb8;
	[tilespmem:$0x16000] =	vst v63  }
0x9d: {  	_ = 	snop  }
0x9e: {  	[tilespmem:s16], [sflag:$0x2] =	stream.indirect_vreg.gather [hbm4b:s5+s2], $0x80, v3, vm0, $0xb8;
	[tilespmem:$0x16000] =	vst v63  }
0x9f: {  	_ = 	snop  }
0xa0: {  	[tilespmem:s17], [sflag:$0x2] =	stream.indirect_vreg.gather [hbm4b:s6+s2], $0x80, v3, vm0, $0xb8;
	[tilespmem:$0x16000] =	vst v63  }
0xa1: {  	v3 =	vld [tilespmem:s0+$0x20];
	_ =	sdelay $0x4  }
0xa2: {  	v62 =	vshrl.u32 v3, $0x3  }
0xa3: {  	v4 =	vmul.u32 $0x30, v62  }
0xa4: {  	v3 =	vand.u32 $0x7, v3  }
0xa5: {  	v3 =	vor.u32 v3, v4  }
0xa6: {  	v4 =	vperm.xlane v3, v0;
	_ =	sdelay $0x1  }
0xa7: {  	v4 =	vadd.s32 v1, v4;
	_ =	sdelay $0x3  }
0xa8: {  	v3 =	vperm.xlane v3, v2  }
0xa9: {  	[tilespmem:s18], [sflag:$0x2] =	stream.indirect_vreg.gather [hbm4b:s3+s2], $0x80, v4, vm0, $0xb8;
	[tilespmem:$0x16000] =	vst v63  }
0xaa: {  	v3 =	vadd.s32 v1, v3  }
0xab: {  	[tilespmem:s19], [sflag:$0x2] =	stream.indirect_vreg.gather [hbm4b:s5+s2], $0x80, v4, vm0, $0xb8;
	[tilespmem:$0x16000] =	vst v63  }
0xac: {  	_ = 	snop  }
0xad: {  	[tilespmem:s20], [sflag:$0x2] =	stream.indirect_vreg.gather [hbm4b:s6+s2], $0x80, v4, vm0, $0xb8;
	[tilespmem:$0x16000] =	vst v63  }
0xae: {  	_ = 	snop  }
0xaf: {  	[tilespmem:s21], [sflag:$0x2] =	stream.indirect_vreg.gather [hbm4b:s3+s2], $0x80, v3, vm0, $0xb8;
	[tilespmem:$0x16000] =	vst v63  }
0xb0: {  	_ = 	snop  }
0xb1: {  	[tilespmem:s22], [sflag:$0x2] =	stream.indirect_vreg.gather [hbm4b:s5+s2], $0x80, v3, vm0, $0xb8;
	[tilespmem:$0x16000] =	vst v63  }
0xb2: {  	_ = 	snop  }
0xb3: {  	[tilespmem:s23], [sflag:$0x2] =	stream.indirect_vreg.gather [hbm4b:s6+s2], $0x80, v3, vm0, $0xb8;
	[tilespmem:$0x16000] =	vst v63  }
0xb4: {  	v3 =	vld.msk [tilespmem:s0+$0x30], $0xff;
	_ =	sdelay $0x4  }
0xb5: {  	v63 =	vshrl.u32 v3, $0x3  }
0xb6: {  	v4 =	vmul.u32 $0x30, v63  }
0xb7: {  	v3 =	vand.u32 $0x7, v3  }
0xb8: {  	v3 =	vor.u32 v3, v4  }
0xb9: {  	v3 =	vperm.xlane v3, v0;
	_ =	sdelay $0x1  }
0xba: {  	v3 =	vadd.s32 v1, v3;
	_ =	sdelay $0x4  }
0xbb: {  	[tilespmem:s24], [sflag:$0x2] =	stream.indirect_vreg.gather [hbm4b:s3+s2], $0x80, v3, vm0, $0xb8;
	[tilespmem:$0x16000] =	vst v63  }
0xbc: {  	_ = 	snop  }
0xbd: {  	[tilespmem:s25], [sflag:$0x2] =	stream.indirect_vreg.gather [hbm4b:s5+s2], $0x80, v3, vm0, $0xb8;
	[tilespmem:$0x16000] =	vst v63  }
0xbe: {  	_ = 	snop  }
0xbf: {  	[tilespmem:s26], [sflag:$0x2] =	stream.indirect_vreg.gather [hbm4b:s6+s2], $0x80, v3, vm0, $0xb8;
	[tilespmem:$0x16000] =	vst v63  }
0xc0: {  	_ =	swait.ge [sflag:s28], $0xA800  }
0xc1: {  	s8 =	rddreg [dreg:$0x4];
	[sflag:s28] =	ssyncset.done $0x0  }
0xc2: {  	[sflag:s28] =	ssyncadd.s32 $0xFFFF5800;
	s7 =	sadd.s32 s4, s8  }
0xc3: {  	[hbm4b:s7+s2] =	stream.linear.scatter [tilespmem:s9], [sflag:$0x3], $0xA800, $0x38;
	[tilespmem:$0x16000] =	vst v63  }
0xc4: {  	_ =	swait.ge [sflag:s29], $0xA800  }
0xc5: {  	s8 =	rddreg [dreg:$0x3]  }
0xc6: {  	s7 =	sadd.s32 s4, s8;
	s4 =	sadd.s32 $0x2A00, s4  }
0xc7: {  	p0 =	sne.s32 s4, $0x24C00  }
.Ltmp0:
0xc8: {  	_ = 	snop;
	(pc) =	sbr.rel @p0 .LBB2_2-.Ltmp0, $4  }
0xc9: {  	_ = 	snop  }
0xca: {  	[sflag:s29] =	ssyncset.done $0x0  }
0xcb: {  	s0 =	sadd.s32 $0x100, s0;
	[sflag:s29] =	ssyncadd.s32 $0xFFFF5800  }
0xcc: {  	[hbm4b:s7+s2] =	stream.linear.scatter [tilespmem:s10], [sflag:$0x4], $0xA800, $0x38;
	[tilespmem:$0x16000] =	vst v63  }
0xcd: {  	_ =	swait.ge [sflag:s30], $0xA800  }
0xce: {  	[sflag:s30] =	ssyncset.done $0x0  }
0xcf: {  	[sflag:s30] =	ssyncadd.s32 $0xFFFF5800  }
0xd0: {  	_ =	swait.ge [sflag:s31], $0xA800  }
0xd1: {  	s1 =	sadd.s32 $0x1, s1;
	s0 =	rddreg [dreg:$0x1e]  }
0xd2: {  	p0 =	sne.s32 s1, s0  }
.Ltmp1:
0xd3: {  	_ = 	snop;
	(pc) =	sbr.rel @p0 .LBB2_1-.Ltmp1, $3  }
0xd4: {  	_ =	sdelay $0x1  }
0xd5: {  	[sflag:s31] =	ssyncset.done $0x0  }
0xd6: {  	[sflag:s31] =	ssyncadd.s32 $0xFFFF5800  }
0xd7: {  	_ =	sfence.sel $0x180000  }
0xd8: {  	[bflag:$0x0] =	sbarrier.arrive $0xFFFF  }
0xd9: {  	_ =	strace $0x90000047  }
0xda: {  	s0 =	stileid.u32;
	[bflag:$0x2] =	sbarrier.arrive $0xFFFF  }
0xdb: {  	p0 =	sne.s32 s0, $0x0;
	s0 =	rddreg [dreg:$0x2]  }
0xdc: {  	s0 =	sadd.s32 @!p0 $0x100000, s0  }
0xdd: {  	[sflag:s0] =	ssyncadd.tile.s32 @!p0 $0x1;
	_ =	shalt  }
.Lfunc_end2:
_tile_overlayer_lowered:
.L_overlay_start_2:
0xde: {  	(tag) =	ssettag $0x2  }
0xdf: {  	s0 =	rddreg [dreg:$0x0];
	s2 =	stileid.u32  }
0xe0: {  	s1 =	rddreg [dreg:$0x1];
	p0 =	sne.s32 s2, $0x0  }
0xe1: {  	s3 =	rddreg [dreg:$0x2];
	[bflag:$0x3] =	sbarrier.arrive $0xFFFF;
	s2 =	simm.s32 @!p0 $0x1C05  }
0xe2: {  	[timem:s3], [sflag:s2] =	dma.local @!p0 [hbm:s0], s1  }
0xe3: {  	s0 =	simm.s32 @!p0 $0x5  }
0xe4: {  	_ =	swait.ge @!p0 [sflag:s0], s1  }
0xe5: {  	s1 =	ssub.s32 @!p0 $0x0, s1;
	[sflag:s0] =	ssyncset.done @!p0 $0x0  }
0xe6: {  	[sflag:s0] =	ssyncadd.s32 @!p0 s1  }
0xe7: {  	[bflag:$0x3] =	sbarrier.arrive $0xFFFF  }
0xe8: {  	_ =	shalt  }

</sc_bundles>
